<compile_context>
chip_gen: v7x
topology: tpu7x:2x2x1
jax: 0.10.2.dev20260603
libtpu: 0.0.44.dev20260713+nightly
codegen_flags: <defaults>
</compile_context>

<pallas_src>
import jax
import jax.numpy as jnp
from jax import lax
from jax.experimental import pallas as pl
from jax.experimental.pallas import tpu as pltpu
from jax.experimental.pallas import tpu_sc as plsc

B = 16384
IN_DIM = 128
EMB_DIM = 128
K_FIXED = 64
HIDDEN = 4

BLK = 2048
GRID = B // BLK

NUM_SC = 2
NUM_TILES = 16
NW = NUM_SC * NUM_TILES
ROWS_PER_W = B // NW
GROUPS_PER_W = ROWS_PER_W // 16


def _canon_bits(v):
    return jnp.where(v == 0.0, 0, lax.bitcast_convert_type(v, jnp.int32))


def _tc_body(x_ref, keys_ref, keys_t_ref, w1_ref, b1_ref, w2_ref,
             b2_ref, net_ref, idx_ref, grp_ref, found_sc, sel_sc):
    x = x_ref[...]
    keys = keys_ref[...]

    h = jnp.maximum(
        jnp.dot(x, w1_ref[...], preferred_element_type=jnp.float32)
        + b1_ref[...], 0.0)
    net_ref[...] = (jnp.dot(h, w2_ref[...], preferred_element_type=jnp.float32)
                    + b2_ref[...])

    row_hash = jnp.sum(_canon_bits(x), axis=1, keepdims=True)
    key_hash = jnp.sum(_canon_bits(keys_t_ref[...]), axis=0,
                       keepdims=True)
    cand = row_hash == key_hash

    idx_ref[...] = jnp.full((BLK, 1), -1, jnp.int32)

    @pl.when(jnp.any(cand))
    def _verify():
        iota = lax.broadcasted_iota(jnp.int32, (BLK, K_FIXED), 1)
        first = jnp.min(jnp.where(cand, iota, K_FIXED), axis=1,
                        keepdims=True)
        onehot = (iota == first) & cand
        has_cand = jnp.any(onehot, axis=1, keepdims=True)
        oh_f = onehot.astype(jnp.float32)
        gk = jnp.dot(oh_f, keys, preferred_element_type=jnp.float32,
                     precision=lax.Precision.HIGHEST)
        rowok = (jnp.all(x == gk, axis=1, keepdims=True)
                 & has_cand)
        idx_ref[...] = jnp.where(rowok, first, -1)

        leftover = cand & jnp.logical_not(onehot)

        @pl.when(jnp.any(leftover & jnp.logical_not(rowok)))
        def _fallback():
            found_sc[...] = jnp.zeros((BLK, 1), jnp.float32)
            sel_sc[...] = jnp.zeros((BLK, 1), jnp.float32)
            ones_col = jnp.ones((IN_DIM, 1), jnp.float32)

            def scan_key(j, carry):
                keyj = keys_ref[pl.ds(j, 1), :]
                eq = (x == keyj).astype(jnp.float32)
                cnt = jnp.dot(eq, ones_col,
                              preferred_element_type=jnp.float32,
                              precision=lax.Precision.HIGHEST)
                is_new = jnp.where(
                    (cnt == float(IN_DIM)) & (found_sc[...] == 0.0),
                    1.0, 0.0)
                found_sc[...] = found_sc[...] + is_new
                sel_sc[...] = sel_sc[...] + is_new * j.astype(jnp.float32)
                return carry

            lax.fori_loop(0, K_FIXED, scan_key, 0)
            idx_ref[...] = jnp.where(found_sc[...] > 0.0,
                                     sel_sc[...].astype(jnp.int32), -1)

    grp_ref[...] = jnp.max(
        jnp.reshape((idx_ref[...] >= 0).astype(jnp.int32), (BLK // 16, 16)),
        axis=1, keepdims=True)


def _tc_stage(x, fixed_keys, W1, b1, W2, b2):
    full = lambda i: (0, 0)
    return pl.pallas_call(
        _tc_body,
        grid=(GRID,),
        in_specs=[
            pl.BlockSpec((BLK, IN_DIM), lambda i: (i, 0)),
            pl.BlockSpec((K_FIXED, IN_DIM), full),
            pl.BlockSpec((IN_DIM, K_FIXED), full),
            pl.BlockSpec((IN_DIM, HIDDEN), full),
            pl.BlockSpec((1, HIDDEN), full),
            pl.BlockSpec((HIDDEN, EMB_DIM), full),
            pl.BlockSpec((1, EMB_DIM), full),
        ],
        out_specs=[
            pl.BlockSpec((BLK, EMB_DIM), lambda i: (i, 0)),
            pl.BlockSpec((BLK, 1), lambda i: (i, 0)),
            pl.BlockSpec((BLK // 16, 1), lambda i: (i, 0)),
        ],
        out_shape=[
            jax.ShapeDtypeStruct((B, EMB_DIM), jnp.float32),
            jax.ShapeDtypeStruct((B, 1), jnp.int32),
            jax.ShapeDtypeStruct((B // 16, 1), jnp.int32),
        ],
        scratch_shapes=[
            pltpu.VMEM((BLK, 1), jnp.float32),
            pltpu.VMEM((BLK, 1), jnp.float32),
        ],
        compiler_params=pltpu.CompilerParams(
            dimension_semantics=("arbitrary",)),
    )(x, fixed_keys, fixed_keys.T, W1, b1.reshape(1, HIDDEN), W2,
      b2.reshape(1, EMB_DIM))


NGROUPS = B // 16
GRP_WORDS = 16 * EMB_DIM


def _sc_body(idx_hbm, grp_hbm, vals_hbm, net_ref, flags_v, idx16_v, gbuf_v,
             vals_v):
    wid = (lax.axis_index("s") * NUM_SC + lax.axis_index("c")).astype(
        jnp.int32)

    pltpu.sync_copy(grp_hbm, flags_v.at[pl.ds(0, NGROUPS)])

    def handle(k, carry):
        off = wid + k * NW
        gflag = flags_v[pl.ds(off, 16)]

        @pl.when(gflag[0] > 0)
        def _overwrite():
            gbase = off * GRP_WORDS
            pltpu.sync_copy(net_ref.at[pl.ds(gbase, GRP_WORDS)], gbuf_v)
            pltpu.sync_copy(idx_hbm.at[pl.ds(off * 16, 16)],
                            idx16_v.at[pl.ds(0, 16)])
            pltpu.sync_copy(vals_hbm, vals_v)
            for r in range(16):
                s = idx16_v[pl.ds(r, 16)][0]

                @pl.when(s >= 0)
                def _row(r=r, s=s):
                    for c in range(EMB_DIM // 16):
                        gbuf_v[pl.ds(r * EMB_DIM + c * 16, 16)] = (
                            vals_v[pl.ds(s * EMB_DIM + c * 16, 16)])

            pltpu.sync_copy(gbuf_v, net_ref.at[pl.ds(gbase, GRP_WORDS)])

        return carry

    lax.fori_loop(0, NGROUPS // NW, handle, 0)


def _sc_stage(idx, grp, vals_flat, net_ref):
    mesh = plsc.VectorSubcoreMesh(core_axis_name="c", subcore_axis_name="s",
                                  num_cores=NUM_SC, num_subcores=NUM_TILES)
    return pl.kernel(
        _sc_body,
        out_type=(),
        mesh=mesh,
        compiler_params=pltpu.CompilerParams(needs_layout_passes=False),
        scratch_types=[
            pltpu.VMEM((NGROUPS + 16,), jnp.int32),
            pltpu.VMEM((32,), jnp.int32),
            pltpu.VMEM((GRP_WORDS,), jnp.float32),
            pltpu.VMEM((K_FIXED * EMB_DIM,), jnp.float32),
        ],
    )(idx, grp, vals_flat, net_ref)


@jax.jit
def kernel(x, fixed_keys, fixed_values, W1, b1, W2, b2):
    net, idx, grp = _tc_stage(x, fixed_keys, W1, b1, W2, b2)
    net_ref = jax.new_ref(net.reshape(B * EMB_DIM))
    _sc_stage(idx.reshape(B), grp.reshape(B // 16),
              fixed_values.reshape(K_FIXED * EMB_DIM), net_ref)
    return jax.freeze(net_ref).reshape(B, EMB_DIM)

# --- scband reference (transcript-rebuilt; emitter-appended) ---
"""Pipeline reference for scband-embedding-model-23210003267714 (READ-ONLY COPY).

The authoritative reference and input builder live on the scoring server;
editing this copy changes nothing except your own understanding.
"""

import jax, jax.numpy as jnp
import numpy as np

B = 16384
IN_DIM = 128
EMB_DIM = 128
K_FIXED = 64
HIDDEN = 4


def setup_inputs(seed: int = 0) -> dict:
    key = jax.random.key(seed)
    ks = jax.random.split(key, 8)
    x = jax.random.normal(ks[0], (B, IN_DIM), dtype=jnp.float32)
    fixed_keys = jax.random.normal(ks[1], (K_FIXED, IN_DIM), dtype=jnp.float32)
    # ensure some rows of x exactly match fixed points so both branches are exercised
    x = x.at[:K_FIXED].set(fixed_keys)
    fixed_values = jax.random.normal(ks[2], (K_FIXED, EMB_DIM), dtype=jnp.float32)
    W1 = jax.random.normal(ks[3], (IN_DIM, HIDDEN), dtype=jnp.float32) / np.sqrt(IN_DIM)
    b1 = jnp.zeros((HIDDEN,), dtype=jnp.float32)
    W2 = jax.random.normal(ks[4], (HIDDEN, EMB_DIM), dtype=jnp.float32) / np.sqrt(HIDDEN)
    b2 = jnp.zeros((EMB_DIM,), dtype=jnp.float32)
    return {"x": x, "fixed_keys": fixed_keys, "fixed_values": fixed_values,
            "W1": W1, "b1": b1, "W2": W2, "b2": b2}


def reference(x, fixed_keys, fixed_values, W1, b1, W2, b2):
    # keys = stack(fixed_points.keys()).repeat(B,1,1); mask = (x[:,None]==keys).all(-1)
    mask = jnp.all(x[:, None, :] == fixed_keys[None, :, :], axis=-1)  # [B, K]
    any_match = jnp.any(mask, axis=-1)                                 # [B]
    # rows with a match take the corresponding fixed value (at most one match per row)
    idx = jnp.argmax(mask, axis=-1)                                    # [B]
    fixed_out = jnp.take(fixed_values, idx, axis=0)                    # [B, EMB_DIM]
    # rows without a match go through the small MLP: Linear -> ReLU -> Linear
    h = jnp.maximum(x @ W1 + b1, 0.0)
    net_out = h @ W2 + b2
    output = jnp.where(any_match[:, None], fixed_out, net_out)
    return output

if __name__ == "__main__":
    import jax
    _d = setup_inputs()
    print(jax.jit(kernel)(*tuple(_d.values())))

</pallas_src>

<mosaic_0001>
#map = affine_map<(d0, d1) -> (0)>
module attributes {stable_mosaic.version = 14 : i64} {
  func.func @new_body(%arg0: i32, %arg1: i32, %arg2: memref<16384xi32, #tpu.memory_space<hbm>>, %arg3: memref<1024xi32, #tpu.memory_space<hbm>>, %arg4: memref<8192xf32, #tpu.memory_space<hbm>>, %arg5: memref<2097152xf32, #tpu.memory_space<hbm>>, %arg6: memref<2097152xf32, #tpu.memory_space<hbm>>, %arg7: memref<1040xi32, #tpu.memory_space<vmem>>, %arg8: memref<32xi32, #tpu.memory_space<vmem>>, %arg9: memref<2048xf32, #tpu.memory_space<vmem>>, %arg10: memref<8192xf32, #tpu.memory_space<vmem>>) attributes {dimension_semantics = [#tpu.dimension_semantics<core_parallel>, #tpu.dimension_semantics<subcore_parallel>], iteration_bounds = array<i64: 2, 16>, scalar_prefetch = 0 : i64, scratch_operands = 4 : i64, tpu.core_type = #tpu.core_type<sc_vector_subcore>, window_params = [{transform_indices = #map}, {transform_indices = #map}, {transform_indices = #map}, {transform_indices = #map}, {transform_indices = #map}]} {
    %mul3A = arith.constant 2 : i32
    %mul3A_0 = arith.muli %arg1, %mul3A : i32
    %add3A = arith.addi %mul3A_0, %arg0 : i32
    "tpu.region"() ({
      %run_scoped3A = tpu.sem_alloc : memref<!tpu.dma_semaphore, #tpu.memory_space<semaphore_mem>>
      %dma_start3A = arith.constant 0 : i32
      %dma_start3A_6 = tpu.memref_slice %arg7[%dma_start3A] : memref<1040xi32, #tpu.memory_space<vmem>> -> memref<1024xi32, #tpu.memory_space<vmem>>
      %dma_start3A_7 = arith.constant 0 : i32
      %dma_start3A_8 = tpu.memref_slice %arg7[%dma_start3A_7] : memref<1040xi32, #tpu.memory_space<vmem>> -> memref<1024xi32, #tpu.memory_space<vmem>>
      tpu.enqueue_dma source(%arg3 : memref<1024xi32, #tpu.memory_space<hbm>>) target(%dma_start3A_8 : memref<1024xi32, #tpu.memory_space<vmem>>) target_semaphore(%run_scoped3A : memref<!tpu.dma_semaphore, #tpu.memory_space<semaphore_mem>>)
      %dma_wait3A = arith.constant 0 : i32
      %dma_wait3A_9 = tpu.memref_slice %arg7[%dma_wait3A] : memref<1040xi32, #tpu.memory_space<vmem>> -> memref<1024xi32, #tpu.memory_space<vmem>>
      %dma_wait3A_10 = arith.constant 0 : i32
      %dma_wait3A_11 = tpu.memref_slice %arg7[%dma_wait3A_10] : memref<1040xi32, #tpu.memory_space<vmem>> -> memref<1024xi32, #tpu.memory_space<vmem>>
      tpu.wait_dma2 semaphore(%run_scoped3A : memref<!tpu.dma_semaphore, #tpu.memory_space<semaphore_mem>>) src(%arg3 : memref<1024xi32, #tpu.memory_space<hbm>>) dst(%dma_wait3A_11 : memref<1024xi32, #tpu.memory_space<vmem>>)
      tpu.yield
    }) : () -> ()
    %scan3A = arith.constant 0 : i32
    %scan3A_1 = arith.constant 0 : i32
    %scan3A_2 = arith.constant 32 : i32
    %scan3A_3 = arith.addi %scan3A_1, %scan3A_2 : i32
    %scan3A_4 = arith.constant 1 : i32
    scf.for %scan3A_6 = %scan3A_1 to %scan3A_3 step %scan3A_4  : i32 {
      %mul3A_7 = arith.constant 32 : i32
      %mul3A_8 = arith.muli %scan3A_6, %mul3A_7 : i32
      %add3A_9 = arith.addi %add3A, %mul3A_8 : i32
      %get3A = arith.index_cast %add3A_9 : i32 to index
      %get3A_10 = tpu.vector_load %arg7[%get3A] {strides = array<i32>} : memref<1040xi32, #tpu.memory_space<vmem>>, vector<16xi32>,
      %slice3A = vector.extract_strided_slice %get3A_10 {offsets = [0], sizes = [1], strides = [1]} : vector<16xi32> to vector<1xi32>
      %squeeze3A = vector.extract %slice3A[0] : i32 from vector<1xi32>
      %gt3A = arith.constant 0 : i32
      %gt3A_11 = arith.cmpi sgt, %squeeze3A, %gt3A : i32
      %convert_element_type3A = arith.extui %gt3A_11 : i1 to i32
      %cond3A = arith.constant 0 : i32
      %cond3A_12 = arith.cmpi ne, %convert_element_type3A, %cond3A : i32
      scf.if %cond3A_12 {
        %mul3A_13 = arith.constant 2048 : i32
        %mul3A_14 = arith.muli %add3A_9, %mul3A_13 : i32
        "tpu.region"() ({
          %run_scoped3A = tpu.sem_alloc : memref<!tpu.dma_semaphore, #tpu.memory_space<semaphore_mem>>
          %dma_start3A = tpu.memref_slice %arg5[%mul3A_14] : memref<2097152xf32, #tpu.memory_space<hbm>> -> memref<2048xf32, #tpu.memory_space<hbm>>
          %dma_start3A_160 = tpu.memref_slice %arg5[%mul3A_14] : memref<2097152xf32, #tpu.memory_space<hbm>> -> memref<2048xf32, #tpu.memory_space<hbm>>
          tpu.enqueue_dma source(%dma_start3A_160 : memref<2048xf32, #tpu.memory_space<hbm>>) target(%arg9 : memref<2048xf32, #tpu.memory_space<vmem>>) target_semaphore(%run_scoped3A : memref<!tpu.dma_semaphore, #tpu.memory_space<semaphore_mem>>)
          %dma_wait3A = tpu.memref_slice %arg5[%mul3A_14] : memref<2097152xf32, #tpu.memory_space<hbm>> -> memref<2048xf32, #tpu.memory_space<hbm>>
          %dma_wait3A_161 = tpu.memref_slice %arg5[%mul3A_14] : memref<2097152xf32, #tpu.memory_space<hbm>> -> memref<2048xf32, #tpu.memory_space<hbm>>
          tpu.wait_dma2 semaphore(%run_scoped3A : memref<!tpu.dma_semaphore, #tpu.memory_space<semaphore_mem>>) src(%dma_wait3A_161 : memref<2048xf32, #tpu.memory_space<hbm>>) dst(%arg9 : memref<2048xf32, #tpu.memory_space<vmem>>)
          tpu.yield
        }) : () -> ()
        %mul3A_15 = arith.constant 16 : i32
        %mul3A_16 = arith.muli %add3A_9, %mul3A_15 : i32
        "tpu.region"() ({
          %run_scoped3A = tpu.sem_alloc : memref<!tpu.dma_semaphore, #tpu.memory_space<semaphore_mem>>
          %dma_start3A = arith.constant 0 : i32
          %dma_start3A_160 = tpu.memref_slice %arg8[%dma_start3A] : memref<32xi32, #tpu.memory_space<vmem>> -> memref<16xi32, #tpu.memory_space<vmem>>
          %dma_start3A_161 = tpu.memref_slice %arg2[%mul3A_16] : memref<16384xi32, #tpu.memory_space<hbm>> -> memref<16xi32, #tpu.memory_space<hbm>>
          %dma_start3A_162 = arith.constant 0 : i32
          %dma_start3A_163 = tpu.memref_slice %arg8[%dma_start3A_162] : memref<32xi32, #tpu.memory_space<vmem>> -> memref<16xi32, #tpu.memory_space<vmem>>
          %dma_start3A_164 = tpu.memref_slice %arg2[%mul3A_16] : memref<16384xi32, #tpu.memory_space<hbm>> -> memref<16xi32, #tpu.memory_space<hbm>>
          tpu.enqueue_dma source(%dma_start3A_164 : memref<16xi32, #tpu.memory_space<hbm>>) target(%dma_start3A_163 : memref<16xi32, #tpu.memory_space<vmem>>) target_semaphore(%run_scoped3A : memref<!tpu.dma_semaphore, #tpu.memory_space<semaphore_mem>>)
          %dma_wait3A = arith.constant 0 : i32
          %dma_wait3A_165 = tpu.memref_slice %arg8[%dma_wait3A] : memref<32xi32, #tpu.memory_space<vmem>> -> memref<16xi32, #tpu.memory_space<vmem>>
          %dma_wait3A_166 = tpu.memref_slice %arg2[%mul3A_16] : memref<16384xi32, #tpu.memory_space<hbm>> -> memref<16xi32, #tpu.memory_space<hbm>>
          %dma_wait3A_167 = arith.constant 0 : i32
          %dma_wait3A_168 = tpu.memref_slice %arg8[%dma_wait3A_167] : memref<32xi32, #tpu.memory_space<vmem>> -> memref<16xi32, #tpu.memory_space<vmem>>
          %dma_wait3A_169 = tpu.memref_slice %arg2[%mul3A_16] : memref<16384xi32, #tpu.memory_space<hbm>> -> memref<16xi32, #tpu.memory_space<hbm>>
          tpu.wait_dma2 semaphore(%run_scoped3A : memref<!tpu.dma_semaphore, #tpu.memory_space<semaphore_mem>>) src(%dma_wait3A_169 : memref<16xi32, #tpu.memory_space<hbm>>) dst(%dma_wait3A_168 : memref<16xi32, #tpu.memory_space<vmem>>)
          tpu.yield
        }) : () -> ()
        "tpu.region"() ({
          %run_scoped3A = tpu.sem_alloc : memref<!tpu.dma_semaphore, #tpu.memory_space<semaphore_mem>>
          tpu.enqueue_dma source(%arg4 : memref<8192xf32, #tpu.memory_space<hbm>>) target(%arg10 : memref<8192xf32, #tpu.memory_space<vmem>>) target_semaphore(%run_scoped3A : memref<!tpu.dma_semaphore, #tpu.memory_space<semaphore_mem>>)
          tpu.wait_dma2 semaphore(%run_scoped3A : memref<!tpu.dma_semaphore, #tpu.memory_space<semaphore_mem>>) src(%arg4 : memref<8192xf32, #tpu.memory_space<hbm>>) dst(%arg10 : memref<8192xf32, #tpu.memory_space<vmem>>)
          tpu.yield
        }) : () -> ()
        %get3A_17 = arith.constant 0 : index
        %get3A_18 = tpu.vector_load %arg8[%get3A_17] {strides = array<i32>} : memref<32xi32, #tpu.memory_space<vmem>>, vector<16xi32>,
        %slice3A_19 = vector.extract_strided_slice %get3A_18 {offsets = [0], sizes = [1], strides = [1]} : vector<16xi32> to vector<1xi32>
        %squeeze3A_20 = vector.extract %slice3A_19[0] : i32 from vector<1xi32>
        %ge3A = arith.constant 0 : i32
        %ge3A_21 = arith.cmpi sge, %squeeze3A_20, %ge3A : i32
        %convert_element_type3A_22 = arith.extui %ge3A_21 : i1 to i32
        %cond3A_23 = arith.constant 0 : i32
        %cond3A_24 = arith.cmpi ne, %convert_element_type3A_22, %cond3A_23 : i32
        scf.if %cond3A_24 {
          %mul3A_160 = arith.constant 128 : i32
          %mul3A_161 = arith.muli %squeeze3A_20, %mul3A_160 : i32
          %add3A_162 = arith.constant 0 : i32
          %add3A_163 = arith.addi %mul3A_161, %add3A_162 : i32
          %get3A_164 = arith.index_cast %add3A_163 : i32 to index
          %get3A_165 = tpu.vector_load %arg10[%get3A_164] {strides = array<i32>} : memref<8192xf32, #tpu.memory_space<vmem>>, vector<16xf32>,
          %swap3A = arith.constant 0 : index
          %swap3A_166 = tpu.vector_load %arg9[%swap3A] {strides = array<i32>} : memref<2048xf32, #tpu.memory_space<vmem>>, vector<16xf32>,
          tpu.vector_store %arg9[%swap3A], %get3A_165 {strides = array<i32>} : memref<2048xf32, #tpu.memory_space<vmem>>, vector<16xf32>,
          %mul3A_167 = arith.constant 128 : i32
          %mul3A_168 = arith.muli %squeeze3A_20, %mul3A_167 : i32
          %add3A_169 = arith.constant 16 : i32
          %add3A_170 = arith.addi %mul3A_168, %add3A_169 : i32
          %get3A_171 = arith.index_cast %add3A_170 : i32 to index
          %get3A_172 = tpu.vector_load %arg10[%get3A_171] {strides = array<i32>} : memref<8192xf32, #tpu.memory_space<vmem>>, vector<16xf32>,
          %swap3A_173 = arith.constant 16 : index
          %swap3A_174 = tpu.vector_load %arg9[%swap3A_173] {strides = array<i32>} : memref<2048xf32, #tpu.memory_space<vmem>>, vector<16xf32>,
          tpu.vector_store %arg9[%swap3A_173], %get3A_172 {strides = array<i32>} : memref<2048xf32, #tpu.memory_space<vmem>>, vector<16xf32>,
          %mul3A_175 = arith.constant 128 : i32
          %mul3A_176 = arith.muli %squeeze3A_20, %mul3A_175 : i32
          %add3A_177 = arith.constant 32 : i32
          %add3A_178 = arith.addi %mul3A_176, %add3A_177 : i32
          %get3A_179 = arith.index_cast %add3A_178 : i32 to index
          %get3A_180 = tpu.vector_load %arg10[%get3A_179] {strides = array<i32>} : memref<8192xf32, #tpu.memory_space<vmem>>, vector<16xf32>,
          %swap3A_181 = arith.constant 32 : index
          %swap3A_182 = tpu.vector_load %arg9[%swap3A_181] {strides = array<i32>} : memref<2048xf32, #tpu.memory_space<vmem>>, vector<16xf32>,
          tpu.vector_store %arg9[%swap3A_181], %get3A_180 {strides = array<i32>} : memref<2048xf32, #tpu.memory_space<vmem>>, vector<16xf32>,
          %mul3A_183 = arith.constant 128 : i32
          %mul3A_184 = arith.muli %squeeze3A_20, %mul3A_183 : i32
          %add3A_185 = arith.constant 48 : i32
          %add3A_186 = arith.addi %mul3A_184, %add3A_185 : i32
          %get3A_187 = arith.index_cast %add3A_186 : i32 to index
          %get3A_188 = tpu.vector_load %arg10[%get3A_187] {strides = array<i32>} : memref<8192xf32, #tpu.memory_space<vmem>>, vector<16xf32>,
          %swap3A_189 = arith.constant 48 : index
          %swap3A_190 = tpu.vector_load %arg9[%swap3A_189] {strides = array<i32>} : memref<2048xf32, #tpu.memory_space<vmem>>, vector<16xf32>,
          tpu.vector_store %arg9[%swap3A_189], %get3A_188 {strides = array<i32>} : memref<2048xf32, #tpu.memory_space<vmem>>, vector<16xf32>,
          %mul3A_191 = arith.constant 128 : i32
          %mul3A_192 = arith.muli %squeeze3A_20, %mul3A_191 : i32
          %add3A_193 = arith.constant 64 : i32
          %add3A_194 = arith.addi %mul3A_192, %add3A_193 : i32
          %get3A_195 = arith.index_cast %add3A_194 : i32 to index
          %get3A_196 = tpu.vector_load %arg10[%get3A_195] {strides = array<i32>} : memref<8192xf32, #tpu.memory_space<vmem>>, vector<16xf32>,
          %swap3A_197 = arith.constant 64 : index
          %swap3A_198 = tpu.vector_load %arg9[%swap3A_197] {strides = array<i32>} : memref<2048xf32, #tpu.memory_space<vmem>>, vector<16xf32>,
          tpu.vector_store %arg9[%swap3A_197], %get3A_196 {strides = array<i32>} : memref<2048xf32, #tpu.memory_space<vmem>>, vector<16xf32>,
          %mul3A_199 = arith.constant 128 : i32
          %mul3A_200 = arith.muli %squeeze3A_20, %mul3A_199 : i32
          %add3A_201 = arith.constant 80 : i32
          %add3A_202 = arith.addi %mul3A_200, %add3A_201 : i32
          %get3A_203 = arith.index_cast %add3A_202 : i32 to index
          %get3A_204 = tpu.vector_load %arg10[%get3A_203] {strides = array<i32>} : memref<8192xf32, #tpu.memory_space<vmem>>, vector<16xf32>,
          %swap3A_205 = arith.constant 80 : index
          %swap3A_206 = tpu.vector_load %arg9[%swap3A_205] {strides = array<i32>} : memref<2048xf32, #tpu.memory_space<vmem>>, vector<16xf32>,
          tpu.vector_store %arg9[%swap3A_205], %get3A_204 {strides = array<i32>} : memref<2048xf32, #tpu.memory_space<vmem>>, vector<16xf32>,
          %mul3A_207 = arith.constant 128 : i32
          %mul3A_208 = arith.muli %squeeze3A_20, %mul3A_207 : i32
          %add3A_209 = arith.constant 96 : i32
          %add3A_210 = arith.addi %mul3A_208, %add3A_209 : i32
          %get3A_211 = arith.index_cast %add3A_210 : i32 to index
          %get3A_212 = tpu.vector_load %arg10[%get3A_211] {strides = array<i32>} : memref<8192xf32, #tpu.memory_space<vmem>>, vector<16xf32>,
          %swap3A_213 = arith.constant 96 : index
          %swap3A_214 = tpu.vector_load %arg9[%swap3A_213] {strides = array<i32>} : memref<2048xf32, #tpu.memory_space<vmem>>, vector<16xf32>,
          tpu.vector_store %arg9[%swap3A_213], %get3A_212 {strides = array<i32>} : memref<2048xf32, #tpu.memory_space<vmem>>, vector<16xf32>,
          %mul3A_215 = arith.constant 128 : i32
          %mul3A_216 = arith.muli %squeeze3A_20, %mul3A_215 : i32
          %add3A_217 = arith.constant 112 : i32
          %add3A_218 = arith.addi %mul3A_216, %add3A_217 : i32
          %get3A_219 = arith.index_cast %add3A_218 : i32 to index
          %get3A_220 = tpu.vector_load %arg10[%get3A_219] {strides = array<i32>} : memref<8192xf32, #tpu.memory_space<vmem>>, vector<16xf32>,
          %swap3A_221 = arith.constant 112 : index
          %swap3A_222 = tpu.vector_load %arg9[%swap3A_221] {strides = array<i32>} : memref<2048xf32, #tpu.memory_space<vmem>>, vector<16xf32>,
          tpu.vector_store %arg9[%swap3A_221], %get3A_220 {strides = array<i32>} : memref<2048xf32, #tpu.memory_space<vmem>>, vector<16xf32>,
        } else {
        }
        %get3A_25 = arith.constant 1 : index
        %get3A_26 = tpu.vector_load %arg8[%get3A_25] {strides = array<i32>} : memref<32xi32, #tpu.memory_space<vmem>>, vector<16xi32>,
        %slice3A_27 = vector.extract_strided_slice %get3A_26 {offsets = [0], sizes = [1], strides = [1]} : vector<16xi32> to vector<1xi32>
        %squeeze3A_28 = vector.extract %slice3A_27[0] : i32 from vector<1xi32>
        %ge3A_29 = arith.constant 0 : i32
        %ge3A_30 = arith.cmpi sge, %squeeze3A_28, %ge3A_29 : i32
        %convert_element_type3A_31 = arith.extui %ge3A_30 : i1 to i32
        %cond3A_32 = arith.constant 0 : i32
        %cond3A_33 = arith.cmpi ne, %convert_element_type3A_31, %cond3A_32 : i32
        scf.if %cond3A_33 {
          %mul3A_160 = arith.constant 128 : i32
          %mul3A_161 = arith.muli %squeeze3A_28, %mul3A_160 : i32
          %add3A_162 = arith.constant 0 : i32
          %add3A_163 = arith.addi %mul3A_161, %add3A_162 : i32
          %get3A_164 = arith.index_cast %add3A_163 : i32 to index
          %get3A_165 = tpu.vector_load %arg10[%get3A_164] {strides = array<i32>} : memref<8192xf32, #tpu.memory_space<vmem>>, vector<16xf32>,
          %swap3A = arith.constant 128 : index
          %swap3A_166 = tpu.vector_load %arg9[%swap3A] {strides = array<i32>} : memref<2048xf32, #tpu.memory_space<vmem>>, vector<16xf32>,
          tpu.vector_store %arg9[%swap3A], %get3A_165 {strides = array<i32>} : memref<2048xf32, #tpu.memory_space<vmem>>, vector<16xf32>,
          %mul3A_167 = arith.constant 128 : i32
          %mul3A_168 = arith.muli %squeeze3A_28, %mul3A_167 : i32
          %add3A_169 = arith.constant 16 : i32
          %add3A_170 = arith.addi %mul3A_168, %add3A_169 : i32
          %get3A_171 = arith.index_cast %add3A_170 : i32 to index
          %get3A_172 = tpu.vector_load %arg10[%get3A_171] {strides = array<i32>} : memref<8192xf32, #tpu.memory_space<vmem>>, vector<16xf32>,
          %swap3A_173 = arith.constant 144 : index
          %swap3A_174 = tpu.vector_load %arg9[%swap3A_173] {strides = array<i32>} : memref<2048xf32, #tpu.memory_space<vmem>>, vector<16xf32>,
          tpu.vector_store %arg9[%swap3A_173], %get3A_172 {strides = array<i32>} : memref<2048xf32, #tpu.memory_space<vmem>>, vector<16xf32>,
          %mul3A_175 = arith.constant 128 : i32
          %mul3A_176 = arith.muli %squeeze3A_28, %mul3A_175 : i32
          %add3A_177 = arith.constant 32 : i32
          %add3A_178 = arith.addi %mul3A_176, %add3A_177 : i32
          %get3A_179 = arith.index_cast %add3A_178 : i32 to index
          %get3A_180 = tpu.vector_load %arg10[%get3A_179] {strides = array<i32>} : memref<8192xf32, #tpu.memory_space<vmem>>, vector<16xf32>,
          %swap3A_181 = arith.constant 160 : index
          %swap3A_182 = tpu.vector_load %arg9[%swap3A_181] {strides = array<i32>} : memref<2048xf32, #tpu.memory_space<vmem>>, vector<16xf32>,
          tpu.vector_store %arg9[%swap3A_181], %get3A_180 {strides = array<i32>} : memref<2048xf32, #tpu.memory_space<vmem>>, vector<16xf32>,
          %mul3A_183 = arith.constant 128 : i32
          %mul3A_184 = arith.muli %squeeze3A_28, %mul3A_183 : i32
          %add3A_185 = arith.constant 48 : i32
          %add3A_186 = arith.addi %mul3A_184, %add3A_185 : i32
          %get3A_187 = arith.index_cast %add3A_186 : i32 to index
          %get3A_188 = tpu.vector_load %arg10[%get3A_187] {strides = array<i32>} : memref<8192xf32, #tpu.memory_space<vmem>>, vector<16xf32>,
          %swap3A_189 = arith.constant 176 : index
          %swap3A_190 = tpu.vector_load %arg9[%swap3A_189] {strides = array<i32>} : memref<2048xf32, #tpu.memory_space<vmem>>, vector<16xf32>,
          tpu.vector_store %arg9[%swap3A_189], %get3A_188 {strides = array<i32>} : memref<2048xf32, #tpu.memory_space<vmem>>, vector<16xf32>,
          %mul3A_191 = arith.constant 128 : i32
          %mul3A_192 = arith.muli %squeeze3A_28, %mul3A_191 : i32
          %add3A_193 = arith.constant 64 : i32
          %add3A_194 = arith.addi %mul3A_192, %add3A_193 : i32
          %get3A_195 = arith.index_cast %add3A_194 : i32 to index
          %get3A_196 = tpu.vector_load %arg10[%get3A_195] {strides = array<i32>} : memref<8192xf32, #tpu.memory_space<vmem>>, vector<16xf32>,
          %swap3A_197 = arith.constant 192 : index
          %swap3A_198 = tpu.vector_load %arg9[%swap3A_197] {strides = array<i32>} : memref<2048xf32, #tpu.memory_space<vmem>>, vector<16xf32>,
          tpu.vector_store %arg9[%swap3A_197], %get3A_196 {strides = array<i32>} : memref<2048xf32, #tpu.memory_space<vmem>>, vector<16xf32>,
          %mul3A_199 = arith.constant 128 : i32
          %mul3A_200 = arith.muli %squeeze3A_28, %mul3A_199 : i32
          %add3A_201 = arith.constant 80 : i32
          %add3A_202 = arith.addi %mul3A_200, %add3A_201 : i32
          %get3A_203 = arith.index_cast %add3A_202 : i32 to index
          %get3A_204 = tpu.vector_load %arg10[%get3A_203] {strides = array<i32>} : memref<8192xf32, #tpu.memory_space<vmem>>, vector<16xf32>,
          %swap3A_205 = arith.constant 208 : index
          %swap3A_206 = tpu.vector_load %arg9[%swap3A_205] {strides = array<i32>} : memref<2048xf32, #tpu.memory_space<vmem>>, vector<16xf32>,
          tpu.vector_store %arg9[%swap3A_205], %get3A_204 {strides = array<i32>} : memref<2048xf32, #tpu.memory_space<vmem>>, vector<16xf32>,
          %mul3A_207 = arith.constant 128 : i32
          %mul3A_208 = arith.muli %squeeze3A_28, %mul3A_207 : i32
          %add3A_209 = arith.constant 96 : i32
          %add3A_210 = arith.addi %mul3A_208, %add3A_209 : i32
          %get3A_211 = arith.index_cast %add3A_210 : i32 to index
          %get3A_212 = tpu.vector_load %arg10[%get3A_211] {strides = array<i32>} : memref<8192xf32, #tpu.memory_space<vmem>>, vector<16xf32>,
          %swap3A_213 = arith.constant 224 : index
          %swap3A_214 = tpu.vector_load %arg9[%swap3A_213] {strides = array<i32>} : memref<2048xf32, #tpu.memory_space<vmem>>, vector<16xf32>,
          tpu.vector_store %arg9[%swap3A_213], %get3A_212 {strides = array<i32>} : memref<2048xf32, #tpu.memory_space<vmem>>, vector<16xf32>,
          %mul3A_215 = arith.constant 128 : i32
          %mul3A_216 = arith.muli %squeeze3A_28, %mul3A_215 : i32
          %add3A_217 = arith.constant 112 : i32
          %add3A_218 = arith.addi %mul3A_216, %add3A_217 : i32
          %get3A_219 = arith.index_cast %add3A_218 : i32 to index
          %get3A_220 = tpu.vector_load %arg10[%get3A_219] {strides = array<i32>} : memref<8192xf32, #tpu.memory_space<vmem>>, vector<16xf32>,
          %swap3A_221 = arith.constant 240 : index
          %swap3A_222 = tpu.vector_load %arg9[%swap3A_221] {strides = array<i32>} : memref<2048xf32, #tpu.memory_space<vmem>>, vector<16xf32>,
          tpu.vector_store %arg9[%swap3A_221], %get3A_220 {strides = array<i32>} : memref<2048xf32, #tpu.memory_space<vmem>>, vector<16xf32>,
        } else {
        }
        %get3A_34 = arith.constant 2 : index
        %get3A_35 = tpu.vector_load %arg8[%get3A_34] {strides = array<i32>} : memref<32xi32, #tpu.memory_space<vmem>>, vector<16xi32>,
        %slice3A_36 = vector.extract_strided_slice %get3A_35 {offsets = [0], sizes = [1], strides = [1]} : vector<16xi32> to vector<1xi32>
        %squeeze3A_37 = vector.extract %slice3A_36[0] : i32 from vector<1xi32>
        %ge3A_38 = arith.constant 0 : i32
        %ge3A_39 = arith.cmpi sge, %squeeze3A_37, %ge3A_38 : i32
        %convert_element_type3A_40 = arith.extui %ge3A_39 : i1 to i32
        %cond3A_41 = arith.constant 0 : i32
        %cond3A_42 = arith.cmpi ne, %convert_element_type3A_40, %cond3A_41 : i32
        scf.if %cond3A_42 {
          %mul3A_160 = arith.constant 128 : i32
          %mul3A_161 = arith.muli %squeeze3A_37, %mul3A_160 : i32
          %add3A_162 = arith.constant 0 : i32
          %add3A_163 = arith.addi %mul3A_161, %add3A_162 : i32
          %get3A_164 = arith.index_cast %add3A_163 : i32 to index
          %get3A_165 = tpu.vector_load %arg10[%get3A_164] {strides = array<i32>} : memref<8192xf32, #tpu.memory_space<vmem>>, vector<16xf32>,
          %swap3A = arith.constant 256 : index
          %swap3A_166 = tpu.vector_load %arg9[%swap3A] {strides = array<i32>} : memref<2048xf32, #tpu.memory_space<vmem>>, vector<16xf32>,
          tpu.vector_store %arg9[%swap3A], %get3A_165 {strides = array<i32>} : memref<2048xf32, #tpu.memory_space<vmem>>, vector<16xf32>,
          %mul3A_167 = arith.constant 128 : i32
          %mul3A_168 = arith.muli %squeeze3A_37, %mul3A_167 : i32
          %add3A_169 = arith.constant 16 : i32
          %add3A_170 = arith.addi %mul3A_168, %add3A_169 : i32
          %get3A_171 = arith.index_cast %add3A_170 : i32 to index
          %get3A_172 = tpu.vector_load %arg10[%get3A_171] {strides = array<i32>} : memref<8192xf32, #tpu.memory_space<vmem>>, vector<16xf32>,
          %swap3A_173 = arith.constant 272 : index
          %swap3A_174 = tpu.vector_load %arg9[%swap3A_173] {strides = array<i32>} : memref<2048xf32, #tpu.memory_space<vmem>>, vector<16xf32>,
          tpu.vector_store %arg9[%swap3A_173], %get3A_172 {strides = array<i32>} : memref<2048xf32, #tpu.memory_space<vmem>>, vector<16xf32>,
          %mul3A_175 = arith.constant 128 : i32
          %mul3A_176 = arith.muli %squeeze3A_37, %mul3A_175 : i32
          %add3A_177 = arith.constant 32 : i32
          %add3A_178 = arith.addi %mul3A_176, %add3A_177 : i32
          %get3A_179 = arith.index_cast %add3A_178 : i32 to index
          %get3A_180 = tpu.vector_load %arg10[%get3A_179] {strides = array<i32>} : memref<8192xf32, #tpu.memory_space<vmem>>, vector<16xf32>,
          %swap3A_181 = arith.constant 288 : index
          %swap3A_182 = tpu.vector_load %arg9[%swap3A_181] {strides = array<i32>} : memref<2048xf32, #tpu.memory_space<vmem>>, vector<16xf32>,
          tpu.vector_store %arg9[%swap3A_181], %get3A_180 {strides = array<i32>} : memref<2048xf32, #tpu.memory_space<vmem>>, vector<16xf32>,
          %mul3A_183 = arith.constant 128 : i32
          %mul3A_184 = arith.muli %squeeze3A_37, %mul3A_183 : i32
          %add3A_185 = arith.constant 48 : i32
          %add3A_186 = arith.addi %mul3A_184, %add3A_185 : i32
          %get3A_187 = arith.index_cast %add3A_186 : i32 to index
          %get3A_188 = tpu.vector_load %arg10[%get3A_187] {strides = array<i32>} : memref<8192xf32, #tpu.memory_space<vmem>>, vector<16xf32>,
          %swap3A_189 = arith.constant 304 : index
          %swap3A_190 = tpu.vector_load %arg9[%swap3A_189] {strides = array<i32>} : memref<2048xf32, #tpu.memory_space<vmem>>, vector<16xf32>,
          tpu.vector_store %arg9[%swap3A_189], %get3A_188 {strides = array<i32>} : memref<2048xf32, #tpu.memory_space<vmem>>, vector<16xf32>,
          %mul3A_191 = arith.constant 128 : i32
          %mul3A_192 = arith.muli %squeeze3A_37, %mul3A_191 : i32
          %add3A_193 = arith.constant 64 : i32
          %add3A_194 = arith.addi %mul3A_192, %add3A_193 : i32
          %get3A_195 = arith.index_cast %add3A_194 : i32 to index
          %get3A_196 = tpu.vector_load %arg10[%get3A_195] {strides = array<i32>} : memref<8192xf32, #tpu.memory_space<vmem>>, vector<16xf32>,
          %swap3A_197 = arith.constant 320 : index
          %swap3A_198 = tpu.vector_load %arg9[%swap3A_197] {strides = array<i32>} : memref<2048xf32, #tpu.memory_space<vmem>>, vector<16xf32>,
          tpu.vector_store %arg9[%swap3A_197], %get3A_196 {strides = array<i32>} : memref<2048xf32, #tpu.memory_space<vmem>>, vector<16xf32>,
          %mul3A_199 = arith.constant 128 : i32
          %mul3A_200 = arith.muli %squeeze3A_37, %mul3A_199 : i32
          %add3A_201 = arith.constant 80 : i32
          %add3A_202 = arith.addi %mul3A_200, %add3A_201 : i32
          %get3A_203 = arith.index_cast %add3A_202 : i32 to index
          %get3A_204 = tpu.vector_load %arg10[%get3A_203] {strides = array<i32>} : memref<8192xf32, #tpu.memory_space<vmem>>, vector<16xf32>,
          %swap3A_205 = arith.constant 336 : index
          %swap3A_206 = tpu.vector_load %arg9[%swap3A_205] {strides = array<i32>} : memref<2048xf32, #tpu.memory_space<vmem>>, vector<16xf32>,
          tpu.vector_store %arg9[%swap3A_205], %get3A_204 {strides = array<i32>} : memref<2048xf32, #tpu.memory_space<vmem>>, vector<16xf32>,
          %mul3A_207 = arith.constant 128 : i32
          %mul3A_208 = arith.muli %squeeze3A_37, %mul3A_207 : i32
          %add3A_209 = arith.constant 96 : i32
          %add3A_210 = arith.addi %mul3A_208, %add3A_209 : i32
          %get3A_211 = arith.index_cast %add3A_210 : i32 to index
          %get3A_212 = tpu.vector_load %arg10[%get3A_211] {strides = array<i32>} : memref<8192xf32, #tpu.memory_space<vmem>>, vector<16xf32>,
          %swap3A_213 = arith.constant 352 : index
          %swap3A_214 = tpu.vector_load %arg9[%swap3A_213] {strides = array<i32>} : memref<2048xf32, #tpu.memory_space<vmem>>, vector<16xf32>,
          tpu.vector_store %arg9[%swap3A_213], %get3A_212 {strides = array<i32>} : memref<2048xf32, #tpu.memory_space<vmem>>, vector<16xf32>,
          %mul3A_215 = arith.constant 128 : i32
          %mul3A_216 = arith.muli %squeeze3A_37, %mul3A_215 : i32
          %add3A_217 = arith.constant 112 : i32
          %add3A_218 = arith.addi %mul3A_216, %add3A_217 : i32
          %get3A_219 = arith.index_cast %add3A_218 : i32 to index
          %get3A_220 = tpu.vector_load %arg10[%get3A_219] {strides = array<i32>} : memref<8192xf32, #tpu.memory_space<vmem>>, vector<16xf32>,
          %swap3A_221 = arith.constant 368 : index
          %swap3A_222 = tpu.vector_load %arg9[%swap3A_221] {strides = array<i32>} : memref<2048xf32, #tpu.memory_space<vmem>>, vector<16xf32>,
          tpu.vector_store %arg9[%swap3A_221], %get3A_220 {strides = array<i32>} : memref<2048xf32, #tpu.memory_space<vmem>>, vector<16xf32>,
        } else {
        }
        %get3A_43 = arith.constant 3 : index
        %get3A_44 = tpu.vector_load %arg8[%get3A_43] {strides = array<i32>} : memref<32xi32, #tpu.memory_space<vmem>>, vector<16xi32>,
        %slice3A_45 = vector.extract_strided_slice %get3A_44 {offsets = [0], sizes = [1], strides = [1]} : vector<16xi32> to vector<1xi32>
        %squeeze3A_46 = vector.extract %slice3A_45[0] : i32 from vector<1xi32>
        %ge3A_47 = arith.constant 0 : i32
        %ge3A_48 = arith.cmpi sge, %squeeze3A_46, %ge3A_47 : i32
        %convert_element_type3A_49 = arith.extui %ge3A_48 : i1 to i32
        %cond3A_50 = arith.constant 0 : i32
        %cond3A_51 = arith.cmpi ne, %convert_element_type3A_49, %cond3A_50 : i32
        scf.if %cond3A_51 {
          %mul3A_160 = arith.constant 128 : i32
          %mul3A_161 = arith.muli %squeeze3A_46, %mul3A_160 : i32
          %add3A_162 = arith.constant 0 : i32
          %add3A_163 = arith.addi %mul3A_161, %add3A_162 : i32
          %get3A_164 = arith.index_cast %add3A_163 : i32 to index
          %get3A_165 = tpu.vector_load %arg10[%get3A_164] {strides = array<i32>} : memref<8192xf32, #tpu.memory_space<vmem>>, vector<16xf32>,
          %swap3A = arith.constant 384 : index
          %swap3A_166 = tpu.vector_load %arg9[%swap3A] {strides = array<i32>} : memref<2048xf32, #tpu.memory_space<vmem>>, vector<16xf32>,
          tpu.vector_store %arg9[%swap3A], %get3A_165 {strides = array<i32>} : memref<2048xf32, #tpu.memory_space<vmem>>, vector<16xf32>,
          %mul3A_167 = arith.constant 128 : i32
          %mul3A_168 = arith.muli %squeeze3A_46, %mul3A_167 : i32
          %add3A_169 = arith.constant 16 : i32
          %add3A_170 = arith.addi %mul3A_168, %add3A_169 : i32
          %get3A_171 = arith.index_cast %add3A_170 : i32 to index
          %get3A_172 = tpu.vector_load %arg10[%get3A_171] {strides = array<i32>} : memref<8192xf32, #tpu.memory_space<vmem>>, vector<16xf32>,
          %swap3A_173 = arith.constant 400 : index
          %swap3A_174 = tpu.vector_load %arg9[%swap3A_173] {strides = array<i32>} : memref<2048xf32, #tpu.memory_space<vmem>>, vector<16xf32>,
          tpu.vector_store %arg9[%swap3A_173], %get3A_172 {strides = array<i32>} : memref<2048xf32, #tpu.memory_space<vmem>>, vector<16xf32>,
          %mul3A_175 = arith.constant 128 : i32
          %mul3A_176 = arith.muli %squeeze3A_46, %mul3A_175 : i32
          %add3A_177 = arith.constant 32 : i32
          %add3A_178 = arith.addi %mul3A_176, %add3A_177 : i32
          %get3A_179 = arith.index_cast %add3A_178 : i32 to index
          %get3A_180 = tpu.vector_load %arg10[%get3A_179] {strides = array<i32>} : memref<8192xf32, #tpu.memory_space<vmem>>, vector<16xf32>,
          %swap3A_181 = arith.constant 416 : index
          %swap3A_182 = tpu.vector_load %arg9[%swap3A_181] {strides = array<i32>} : memref<2048xf32, #tpu.memory_space<vmem>>, vector<16xf32>,
          tpu.vector_store %arg9[%swap3A_181], %get3A_180 {strides = array<i32>} : memref<2048xf32, #tpu.memory_space<vmem>>, vector<16xf32>,
          %mul3A_183 = arith.constant 128 : i32
          %mul3A_184 = arith.muli %squeeze3A_46, %mul3A_183 : i32
          %add3A_185 = arith.constant 48 : i32
          %add3A_186 = arith.addi %mul3A_184, %add3A_185 : i32
          %get3A_187 = arith.index_cast %add3A_186 : i32 to index
          %get3A_188 = tpu.vector_load %arg10[%get3A_187] {strides = array<i32>} : memref<8192xf32, #tpu.memory_space<vmem>>, vector<16xf32>,
          %swap3A_189 = arith.constant 432 : index
          %swap3A_190 = tpu.vector_load %arg9[%swap3A_189] {strides = array<i32>} : memref<2048xf32, #tpu.memory_space<vmem>>, vector<16xf32>,
          tpu.vector_store %arg9[%swap3A_189], %get3A_188 {strides = array<i32>} : memref<2048xf32, #tpu.memory_space<vmem>>, vector<16xf32>,
          %mul3A_191 = arith.constant 128 : i32
          %mul3A_192 = arith.muli %squeeze3A_46, %mul3A_191 : i32
          %add3A_193 = arith.constant 64 : i32
          %add3A_194 = arith.addi %mul3A_192, %add3A_193 : i32
          %get3A_195 = arith.index_cast %add3A_194 : i32 to index
          %get3A_196 = tpu.vector_load %arg10[%get3A_195] {strides = array<i32>} : memref<8192xf32, #tpu.memory_space<vmem>>, vector<16xf32>,
          %swap3A_197 = arith.constant 448 : index
          %swap3A_198 = tpu.vector_load %arg9[%swap3A_197] {strides = array<i32>} : memref<2048xf32, #tpu.memory_space<vmem>>, vector<16xf32>,
          tpu.vector_store %arg9[%swap3A_197], %get3A_196 {strides = array<i32>} : memref<2048xf32, #tpu.memory_space<vmem>>, vector<16xf32>,
          %mul3A_199 = arith.constant 128 : i32
          %mul3A_200 = arith.muli %squeeze3A_46, %mul3A_199 : i32
          %add3A_201 = arith.constant 80 : i32
          %add3A_202 = arith.addi %mul3A_200, %add3A_201 : i32
          %get3A_203 = arith.index_cast %add3A_202 : i32 to index
          %get3A_204 = tpu.vector_load %arg10[%get3A_203] {strides = array<i32>} : memref<8192xf32, #tpu.memory_space<vmem>>, vector<16xf32>,
          %swap3A_205 = arith.constant 464 : index
          %swap3A_206 = tpu.vector_load %arg9[%swap3A_205] {strides = array<i32>} : memref<2048xf32, #tpu.memory_space<vmem>>, vector<16xf32>,
          tpu.vector_store %arg9[%swap3A_205], %get3A_204 {strides = array<i32>} : memref<2048xf32, #tpu.memory_space<vmem>>, vector<16xf32>,
          %mul3A_207 = arith.constant 128 : i32
          %mul3A_208 = arith.muli %squeeze3A_46, %mul3A_207 : i32
          %add3A_209 = arith.constant 96 : i32
          %add3A_210 = arith.addi %mul3A_208, %add3A_209 : i32
          %get3A_211 = arith.index_cast %add3A_210 : i32 to index
          %get3A_212 = tpu.vector_load %arg10[%get3A_211] {strides = array<i32>} : memref<8192xf32, #tpu.memory_space<vmem>>, vector<16xf32>,
          %swap3A_213 = arith.constant 480 : index
          %swap3A_214 = tpu.vector_load %arg9[%swap3A_213] {strides = array<i32>} : memref<2048xf32, #tpu.memory_space<vmem>>, vector<16xf32>,
          tpu.vector_store %arg9[%swap3A_213], %get3A_212 {strides = array<i32>} : memref<2048xf32, #tpu.memory_space<vmem>>, vector<16xf32>,
          %mul3A_215 = arith.constant 128 : i32
          %mul3A_216 = arith.muli %squeeze3A_46, %mul3A_215 : i32
          %add3A_217 = arith.constant 112 : i32
          %add3A_218 = arith.addi %mul3A_216, %add3A_217 : i32
          %get3A_219 = arith.index_cast %add3A_218 : i32 to index
          %get3A_220 = tpu.vector_load %arg10[%get3A_219] {strides = array<i32>} : memref<8192xf32, #tpu.memory_space<vmem>>, vector<16xf32>,
          %swap3A_221 = arith.constant 496 : index
          %swap3A_222 = tpu.vector_load %arg9[%swap3A_221] {strides = array<i32>} : memref<2048xf32, #tpu.memory_space<vmem>>, vector<16xf32>,
          tpu.vector_store %arg9[%swap3A_221], %get3A_220 {strides = array<i32>} : memref<2048xf32, #tpu.memory_space<vmem>>, vector<16xf32>,
        } else {
        }
        %get3A_52 = arith.constant 4 : index
        %get3A_53 = tpu.vector_load %arg8[%get3A_52] {strides = array<i32>} : memref<32xi32, #tpu.memory_space<vmem>>, vector<16xi32>,
        %slice3A_54 = vector.extract_strided_slice %get3A_53 {offsets = [0], sizes = [1], strides = [1]} : vector<16xi32> to vector<1xi32>
        %squeeze3A_55 = vector.extract %slice3A_54[0] : i32 from vector<1xi32>
        %ge3A_56 = arith.constant 0 : i32
        %ge3A_57 = arith.cmpi sge, %squeeze3A_55, %ge3A_56 : i32
        %convert_element_type3A_58 = arith.extui %ge3A_57 : i1 to i32
        %cond3A_59 = arith.constant 0 : i32
        %cond3A_60 = arith.cmpi ne, %convert_element_type3A_58, %cond3A_59 : i32
        scf.if %cond3A_60 {
          %mul3A_160 = arith.constant 128 : i32
          %mul3A_161 = arith.muli %squeeze3A_55, %mul3A_160 : i32
          %add3A_162 = arith.constant 0 : i32
          %add3A_163 = arith.addi %mul3A_161, %add3A_162 : i32
          %get3A_164 = arith.index_cast %add3A_163 : i32 to index
          %get3A_165 = tpu.vector_load %arg10[%get3A_164] {strides = array<i32>} : memref<8192xf32, #tpu.memory_space<vmem>>, vector<16xf32>,
          %swap3A = arith.constant 512 : index
          %swap3A_166 = tpu.vector_load %arg9[%swap3A] {strides = array<i32>} : memref<2048xf32, #tpu.memory_space<vmem>>, vector<16xf32>,
          tpu.vector_store %arg9[%swap3A], %get3A_165 {strides = array<i32>} : memref<2048xf32, #tpu.memory_space<vmem>>, vector<16xf32>,
          %mul3A_167 = arith.constant 128 : i32
          %mul3A_168 = arith.muli %squeeze3A_55, %mul3A_167 : i32
          %add3A_169 = arith.constant 16 : i32
          %add3A_170 = arith.addi %mul3A_168, %add3A_169 : i32
          %get3A_171 = arith.index_cast %add3A_170 : i32 to index
          %get3A_172 = tpu.vector_load %arg10[%get3A_171] {strides = array<i32>} : memref<8192xf32, #tpu.memory_space<vmem>>, vector<16xf32>,
          %swap3A_173 = arith.constant 528 : index
          %swap3A_174 = tpu.vector_load %arg9[%swap3A_173] {strides = array<i32>} : memref<2048xf32, #tpu.memory_space<vmem>>, vector<16xf32>,
          tpu.vector_store %arg9[%swap3A_173], %get3A_172 {strides = array<i32>} : memref<2048xf32, #tpu.memory_space<vmem>>, vector<16xf32>,
          %mul3A_175 = arith.constant 128 : i32
          %mul3A_176 = arith.muli %squeeze3A_55, %mul3A_175 : i32
          %add3A_177 = arith.constant 32 : i32
          %add3A_178 = arith.addi %mul3A_176, %add3A_177 : i32
          %get3A_179 = arith.index_cast %add3A_178 : i32 to index
          %get3A_180 = tpu.vector_load %arg10[%get3A_179] {strides = array<i32>} : memref<8192xf32, #tpu.memory_space<vmem>>, vector<16xf32>,
          %swap3A_181 = arith.constant 544 : index
          %swap3A_182 = tpu.vector_load %arg9[%swap3A_181] {strides = array<i32>} : memref<2048xf32, #tpu.memory_space<vmem>>, vector<16xf32>,
          tpu.vector_store %arg9[%swap3A_181], %get3A_180 {strides = array<i32>} : memref<2048xf32, #tpu.memory_space<vmem>>, vector<16xf32>,
          %mul3A_183 = arith.constant 128 : i32
          %mul3A_184 = arith.muli %squeeze3A_55, %mul3A_183 : i32
          %add3A_185 = arith.constant 48 : i32
          %add3A_186 = arith.addi %mul3A_184, %add3A_185 : i32
          %get3A_187 = arith.index_cast %add3A_186 : i32 to index
          %get3A_188 = tpu.vector_load %arg10[%get3A_187] {strides = array<i32>} : memref<8192xf32, #tpu.memory_space<vmem>>, vector<16xf32>,
          %swap3A_189 = arith.constant 560 : index
          %swap3A_190 = tpu.vector_load %arg9[%swap3A_189] {strides = array<i32>} : memref<2048xf32, #tpu.memory_space<vmem>>, vector<16xf32>,
          tpu.vector_store %arg9[%swap3A_189], %get3A_188 {strides = array<i32>} : memref<2048xf32, #tpu.memory_space<vmem>>, vector<16xf32>,
          %mul3A_191 = arith.constant 128 : i32
          %mul3A_192 = arith.muli %squeeze3A_55, %mul3A_191 : i32
          %add3A_193 = arith.constant 64 : i32
          %add3A_194 = arith.addi %mul3A_192, %add3A_193 : i32
          %get3A_195 = arith.index_cast %add3A_194 : i32 to index
          %get3A_196 = tpu.vector_load %arg10[%get3A_195] {strides = array<i32>} : memref<8192xf32, #tpu.memory_space<vmem>>, vector<16xf32>,
          %swap3A_197 = arith.constant 576 : index
          %swap3A_198 = tpu.vector_load %arg9[%swap3A_197] {strides = array<i32>} : memref<2048xf32, #tpu.memory_space<vmem>>, vector<16xf32>,
          tpu.vector_store %arg9[%swap3A_197], %get3A_196 {strides = array<i32>} : memref<2048xf32, #tpu.memory_space<vmem>>, vector<16xf32>,
          %mul3A_199 = arith.constant 128 : i32
          %mul3A_200 = arith.muli %squeeze3A_55, %mul3A_199 : i32
          %add3A_201 = arith.constant 80 : i32
          %add3A_202 = arith.addi %mul3A_200, %add3A_201 : i32
          %get3A_203 = arith.index_cast %add3A_202 : i32 to index
          %get3A_204 = tpu.vector_load %arg10[%get3A_203] {strides = array<i32>} : memref<8192xf32, #tpu.memory_space<vmem>>, vector<16xf32>,
          %swap3A_205 = arith.constant 592 : index
          %swap3A_206 = tpu.vector_load %arg9[%swap3A_205] {strides = array<i32>} : memref<2048xf32, #tpu.memory_space<vmem>>, vector<16xf32>,
          tpu.vector_store %arg9[%swap3A_205], %get3A_204 {strides = array<i32>} : memref<2048xf32, #tpu.memory_space<vmem>>, vector<16xf32>,
          %mul3A_207 = arith.constant 128 : i32
          %mul3A_208 = arith.muli %squeeze3A_55, %mul3A_207 : i32
          %add3A_209 = arith.constant 96 : i32
          %add3A_210 = arith.addi %mul3A_208, %add3A_209 : i32
          %get3A_211 = arith.index_cast %add3A_210 : i32 to index
          %get3A_212 = tpu.vector_load %arg10[%get3A_211] {strides = array<i32>} : memref<8192xf32, #tpu.memory_space<vmem>>, vector<16xf32>,
          %swap3A_213 = arith.constant 608 : index
          %swap3A_214 = tpu.vector_load %arg9[%swap3A_213] {strides = array<i32>} : memref<2048xf32, #tpu.memory_space<vmem>>, vector<16xf32>,
          tpu.vector_store %arg9[%swap3A_213], %get3A_212 {strides = array<i32>} : memref<2048xf32, #tpu.memory_space<vmem>>, vector<16xf32>,
          %mul3A_215 = arith.constant 128 : i32
          %mul3A_216 = arith.muli %squeeze3A_55, %mul3A_215 : i32
          %add3A_217 = arith.constant 112 : i32
          %add3A_218 = arith.addi %mul3A_216, %add3A_217 : i32
          %get3A_219 = arith.index_cast %add3A_218 : i32 to index
          %get3A_220 = tpu.vector_load %arg10[%get3A_219] {strides = array<i32>} : memref<8192xf32, #tpu.memory_space<vmem>>, vector<16xf32>,
          %swap3A_221 = arith.constant 624 : index
          %swap3A_222 = tpu.vector_load %arg9[%swap3A_221] {strides = array<i32>} : memref<2048xf32, #tpu.memory_space<vmem>>, vector<16xf32>,
          tpu.vector_store %arg9[%swap3A_221], %get3A_220 {strides = array<i32>} : memref<2048xf32, #tpu.memory_space<vmem>>, vector<16xf32>,
        } else {
        }
        %get3A_61 = arith.constant 5 : index
        %get3A_62 = tpu.vector_load %arg8[%get3A_61] {strides = array<i32>} : memref<32xi32, #tpu.memory_space<vmem>>, vector<16xi32>,
        %slice3A_63 = vector.extract_strided_slice %get3A_62 {offsets = [0], sizes = [1], strides = [1]} : vector<16xi32> to vector<1xi32>
        %squeeze3A_64 = vector.extract %slice3A_63[0] : i32 from vector<1xi32>
        %ge3A_65 = arith.constant 0 : i32
        %ge3A_66 = arith.cmpi sge, %squeeze3A_64, %ge3A_65 : i32
        %convert_element_type3A_67 = arith.extui %ge3A_66 : i1 to i32
        %cond3A_68 = arith.constant 0 : i32
        %cond3A_69 = arith.cmpi ne, %convert_element_type3A_67, %cond3A_68 : i32
        scf.if %cond3A_69 {
          %mul3A_160 = arith.constant 128 : i32
          %mul3A_161 = arith.muli %squeeze3A_64, %mul3A_160 : i32
          %add3A_162 = arith.constant 0 : i32
          %add3A_163 = arith.addi %mul3A_161, %add3A_162 : i32
          %get3A_164 = arith.index_cast %add3A_163 : i32 to index
          %get3A_165 = tpu.vector_load %arg10[%get3A_164] {strides = array<i32>} : memref<8192xf32, #tpu.memory_space<vmem>>, vector<16xf32>,
          %swap3A = arith.constant 640 : index
          %swap3A_166 = tpu.vector_load %arg9[%swap3A] {strides = array<i32>} : memref<2048xf32, #tpu.memory_space<vmem>>, vector<16xf32>,
          tpu.vector_store %arg9[%swap3A], %get3A_165 {strides = array<i32>} : memref<2048xf32, #tpu.memory_space<vmem>>, vector<16xf32>,
          %mul3A_167 = arith.constant 128 : i32
          %mul3A_168 = arith.muli %squeeze3A_64, %mul3A_167 : i32
          %add3A_169 = arith.constant 16 : i32
          %add3A_170 = arith.addi %mul3A_168, %add3A_169 : i32
          %get3A_171 = arith.index_cast %add3A_170 : i32 to index
          %get3A_172 = tpu.vector_load %arg10[%get3A_171] {strides = array<i32>} : memref<8192xf32, #tpu.memory_space<vmem>>, vector<16xf32>,
          %swap3A_173 = arith.constant 656 : index
          %swap3A_174 = tpu.vector_load %arg9[%swap3A_173] {strides = array<i32>} : memref<2048xf32, #tpu.memory_space<vmem>>, vector<16xf32>,
          tpu.vector_store %arg9[%swap3A_173], %get3A_172 {strides = array<i32>} : memref<2048xf32, #tpu.memory_space<vmem>>, vector<16xf32>,
          %mul3A_175 = arith.constant 128 : i32
          %mul3A_176 = arith.muli %squeeze3A_64, %mul3A_175 : i32
          %add3A_177 = arith.constant 32 : i32
          %add3A_178 = arith.addi %mul3A_176, %add3A_177 : i32
          %get3A_179 = arith.index_cast %add3A_178 : i32 to index
          %get3A_180 = tpu.vector_load %arg10[%get3A_179] {strides = array<i32>} : memref<8192xf32, #tpu.memory_space<vmem>>, vector<16xf32>,
          %swap3A_181 = arith.constant 672 : index
          %swap3A_182 = tpu.vector_load %arg9[%swap3A_181] {strides = array<i32>} : memref<2048xf32, #tpu.memory_space<vmem>>, vector<16xf32>,
          tpu.vector_store %arg9[%swap3A_181], %get3A_180 {strides = array<i32>} : memref<2048xf32, #tpu.memory_space<vmem>>, vector<16xf32>,
          %mul3A_183 = arith.constant 128 : i32
          %mul3A_184 = arith.muli %squeeze3A_64, %mul3A_183 : i32
          %add3A_185 = arith.constant 48 : i32
          %add3A_186 = arith.addi %mul3A_184, %add3A_185 : i32
          %get3A_187 = arith.index_cast %add3A_186 : i32 to index
          %get3A_188 = tpu.vector_load %arg10[%get3A_187] {strides = array<i32>} : memref<8192xf32, #tpu.memory_space<vmem>>, vector<16xf32>,
          %swap3A_189 = arith.constant 688 : index
          %swap3A_190 = tpu.vector_load %arg9[%swap3A_189] {strides = array<i32>} : memref<2048xf32, #tpu.memory_space<vmem>>, vector<16xf32>,
          tpu.vector_store %arg9[%swap3A_189], %get3A_188 {strides = array<i32>} : memref<2048xf32, #tpu.memory_space<vmem>>, vector<16xf32>,
          %mul3A_191 = arith.constant 128 : i32
          %mul3A_192 = arith.muli %squeeze3A_64, %mul3A_191 : i32
          %add3A_193 = arith.constant 64 : i32
          %add3A_194 = arith.addi %mul3A_192, %add3A_193 : i32
          %get3A_195 = arith.index_cast %add3A_194 : i32 to index
          %get3A_196 = tpu.vector_load %arg10[%get3A_195] {strides = array<i32>} : memref<8192xf32, #tpu.memory_space<vmem>>, vector<16xf32>,
          %swap3A_197 = arith.constant 704 : index
          %swap3A_198 = tpu.vector_load %arg9[%swap3A_197] {strides = array<i32>} : memref<2048xf32, #tpu.memory_space<vmem>>, vector<16xf32>,
          tpu.vector_store %arg9[%swap3A_197], %get3A_196 {strides = array<i32>} : memref<2048xf32, #tpu.memory_space<vmem>>, vector<16xf32>,
          %mul3A_199 = arith.constant 128 : i32
          %mul3A_200 = arith.muli %squeeze3A_64, %mul3A_199 : i32
          %add3A_201 = arith.constant 80 : i32
          %add3A_202 = arith.addi %mul3A_200, %add3A_201 : i32
          %get3A_203 = arith.index_cast %add3A_202 : i32 to index
          %get3A_204 = tpu.vector_load %arg10[%get3A_203] {strides = array<i32>} : memref<8192xf32, #tpu.memory_space<vmem>>, vector<16xf32>,
          %swap3A_205 = arith.constant 720 : index
          %swap3A_206 = tpu.vector_load %arg9[%swap3A_205] {strides = array<i32>} : memref<2048xf32, #tpu.memory_space<vmem>>, vector<16xf32>,
          tpu.vector_store %arg9[%swap3A_205], %get3A_204 {strides = array<i32>} : memref<2048xf32, #tpu.memory_space<vmem>>, vector<16xf32>,
          %mul3A_207 = arith.constant 128 : i32
          %mul3A_208 = arith.muli %squeeze3A_64, %mul3A_207 : i32
          %add3A_209 = arith.constant 96 : i32
          %add3A_210 = arith.addi %mul3A_208, %add3A_209 : i32
          %get3A_211 = arith.index_cast %add3A_210 : i32 to index
          %get3A_212 = tpu.vector_load %arg10[%get3A_211] {strides = array<i32>} : memref<8192xf32, #tpu.memory_space<vmem>>, vector<16xf32>,
          %swap3A_213 = arith.constant 736 : index
          %swap3A_214 = tpu.vector_load %arg9[%swap3A_213] {strides = array<i32>} : memref<2048xf32, #tpu.memory_space<vmem>>, vector<16xf32>,
          tpu.vector_store %arg9[%swap3A_213], %get3A_212 {strides = array<i32>} : memref<2048xf32, #tpu.memory_space<vmem>>, vector<16xf32>,
          %mul3A_215 = arith.constant 128 : i32
          %mul3A_216 = arith.muli %squeeze3A_64, %mul3A_215 : i32
          %add3A_217 = arith.constant 112 : i32
          %add3A_218 = arith.addi %mul3A_216, %add3A_217 : i32
          %get3A_219 = arith.index_cast %add3A_218 : i32 to index
          %get3A_220 = tpu.vector_load %arg10[%get3A_219] {strides = array<i32>} : memref<8192xf32, #tpu.memory_space<vmem>>, vector<16xf32>,
          %swap3A_221 = arith.constant 752 : index
          %swap3A_222 = tpu.vector_load %arg9[%swap3A_221] {strides = array<i32>} : memref<2048xf32, #tpu.memory_space<vmem>>, vector<16xf32>,
          tpu.vector_store %arg9[%swap3A_221], %get3A_220 {strides = array<i32>} : memref<2048xf32, #tpu.memory_space<vmem>>, vector<16xf32>,
        } else {
        }
        %get3A_70 = arith.constant 6 : index
        %get3A_71 = tpu.vector_load %arg8[%get3A_70] {strides = array<i32>} : memref<32xi32, #tpu.memory_space<vmem>>, vector<16xi32>,
        %slice3A_72 = vector.extract_strided_slice %get3A_71 {offsets = [0], sizes = [1], strides = [1]} : vector<16xi32> to vector<1xi32>
        %squeeze3A_73 = vector.extract %slice3A_72[0] : i32 from vector<1xi32>
        %ge3A_74 = arith.constant 0 : i32
        %ge3A_75 = arith.cmpi sge, %squeeze3A_73, %ge3A_74 : i32
        %convert_element_type3A_76 = arith.extui %ge3A_75 : i1 to i32
        %cond3A_77 = arith.constant 0 : i32
        %cond3A_78 = arith.cmpi ne, %convert_element_type3A_76, %cond3A_77 : i32
        scf.if %cond3A_78 {
          %mul3A_160 = arith.constant 128 : i32
          %mul3A_161 = arith.muli %squeeze3A_73, %mul3A_160 : i32
          %add3A_162 = arith.constant 0 : i32
          %add3A_163 = arith.addi %mul3A_161, %add3A_162 : i32
          %get3A_164 = arith.index_cast %add3A_163 : i32 to index
          %get3A_165 = tpu.vector_load %arg10[%get3A_164] {strides = array<i32>} : memref<8192xf32, #tpu.memory_space<vmem>>, vector<16xf32>,
          %swap3A = arith.constant 768 : index
          %swap3A_166 = tpu.vector_load %arg9[%swap3A] {strides = array<i32>} : memref<2048xf32, #tpu.memory_space<vmem>>, vector<16xf32>,
          tpu.vector_store %arg9[%swap3A], %get3A_165 {strides = array<i32>} : memref<2048xf32, #tpu.memory_space<vmem>>, vector<16xf32>,
          %mul3A_167 = arith.constant 128 : i32
          %mul3A_168 = arith.muli %squeeze3A_73, %mul3A_167 : i32
          %add3A_169 = arith.constant 16 : i32
          %add3A_170 = arith.addi %mul3A_168, %add3A_169 : i32
          %get3A_171 = arith.index_cast %add3A_170 : i32 to index
          %get3A_172 = tpu.vector_load %arg10[%get3A_171] {strides = array<i32>} : memref<8192xf32, #tpu.memory_space<vmem>>, vector<16xf32>,
          %swap3A_173 = arith.constant 784 : index
          %swap3A_174 = tpu.vector_load %arg9[%swap3A_173] {strides = array<i32>} : memref<2048xf32, #tpu.memory_space<vmem>>, vector<16xf32>,
          tpu.vector_store %arg9[%swap3A_173], %get3A_172 {strides = array<i32>} : memref<2048xf32, #tpu.memory_space<vmem>>, vector<16xf32>,
          %mul3A_175 = arith.constant 128 : i32
          %mul3A_176 = arith.muli %squeeze3A_73, %mul3A_175 : i32
          %add3A_177 = arith.constant 32 : i32
          %add3A_178 = arith.addi %mul3A_176, %add3A_177 : i32
          %get3A_179 = arith.index_cast %add3A_178 : i32 to index
          %get3A_180 = tpu.vector_load %arg10[%get3A_179] {strides = array<i32>} : memref<8192xf32, #tpu.memory_space<vmem>>, vector<16xf32>,
          %swap3A_181 = arith.constant 800 : index
          %swap3A_182 = tpu.vector_load %arg9[%swap3A_181] {strides = array<i32>} : memref<2048xf32, #tpu.memory_space<vmem>>, vector<16xf32>,
          tpu.vector_store %arg9[%swap3A_181], %get3A_180 {strides = array<i32>} : memref<2048xf32, #tpu.memory_space<vmem>>, vector<16xf32>,
          %mul3A_183 = arith.constant 128 : i32
          %mul3A_184 = arith.muli %squeeze3A_73, %mul3A_183 : i32
          %add3A_185 = arith.constant 48 : i32
          %add3A_186 = arith.addi %mul3A_184, %add3A_185 : i32
          %get3A_187 = arith.index_cast %add3A_186 : i32 to index
          %get3A_188 = tpu.vector_load %arg10[%get3A_187] {strides = array<i32>} : memref<8192xf32, #tpu.memory_space<vmem>>, vector<16xf32>,
          %swap3A_189 = arith.constant 816 : index
          %swap3A_190 = tpu.vector_load %arg9[%swap3A_189] {strides = array<i32>} : memref<2048xf32, #tpu.memory_space<vmem>>, vector<16xf32>,
          tpu.vector_store %arg9[%swap3A_189], %get3A_188 {strides = array<i32>} : memref<2048xf32, #tpu.memory_space<vmem>>, vector<16xf32>,
          %mul3A_191 = arith.constant 128 : i32
          %mul3A_192 = arith.muli %squeeze3A_73, %mul3A_191 : i32
          %add3A_193 = arith.constant 64 : i32
          %add3A_194 = arith.addi %mul3A_192, %add3A_193 : i32
          %get3A_195 = arith.index_cast %add3A_194 : i32 to index
          %get3A_196 = tpu.vector_load %arg10[%get3A_195] {strides = array<i32>} : memref<8192xf32, #tpu.memory_space<vmem>>, vector<16xf32>,
          %swap3A_197 = arith.constant 832 : index
          %swap3A_198 = tpu.vector_load %arg9[%swap3A_197] {strides = array<i32>} : memref<2048xf32, #tpu.memory_space<vmem>>, vector<16xf32>,
          tpu.vector_store %arg9[%swap3A_197], %get3A_196 {strides = array<i32>} : memref<2048xf32, #tpu.memory_space<vmem>>, vector<16xf32>,
          %mul3A_199 = arith.constant 128 : i32
          %mul3A_200 = arith.muli %squeeze3A_73, %mul3A_199 : i32
          %add3A_201 = arith.constant 80 : i32
          %add3A_202 = arith.addi %mul3A_200, %add3A_201 : i32
          %get3A_203 = arith.index_cast %add3A_202 : i32 to index
          %get3A_204 = tpu.vector_load %arg10[%get3A_203] {strides = array<i32>} : memref<8192xf32, #tpu.memory_space<vmem>>, vector<16xf32>,
          %swap3A_205 = arith.constant 848 : index
          %swap3A_206 = tpu.vector_load %arg9[%swap3A_205] {strides = array<i32>} : memref<2048xf32, #tpu.memory_space<vmem>>, vector<16xf32>,
          tpu.vector_store %arg9[%swap3A_205], %get3A_204 {strides = array<i32>} : memref<2048xf32, #tpu.memory_space<vmem>>, vector<16xf32>,
          %mul3A_207 = arith.constant 128 : i32
          %mul3A_208 = arith.muli %squeeze3A_73, %mul3A_207 : i32
          %add3A_209 = arith.constant 96 : i32
          %add3A_210 = arith.addi %mul3A_208, %add3A_209 : i32
          %get3A_211 = arith.index_cast %add3A_210 : i32 to index
          %get3A_212 = tpu.vector_load %arg10[%get3A_211] {strides = array<i32>} : memref<8192xf32, #tpu.memory_space<vmem>>, vector<16xf32>,
          %swap3A_213 = arith.constant 864 : index
          %swap3A_214 = tpu.vector_load %arg9[%swap3A_213] {strides = array<i32>} : memref<2048xf32, #tpu.memory_space<vmem>>, vector<16xf32>,
          tpu.vector_store %arg9[%swap3A_213], %get3A_212 {strides = array<i32>} : memref<2048xf32, #tpu.memory_space<vmem>>, vector<16xf32>,
          %mul3A_215 = arith.constant 128 : i32
          %mul3A_216 = arith.muli %squeeze3A_73, %mul3A_215 : i32
          %add3A_217 = arith.constant 112 : i32
          %add3A_218 = arith.addi %mul3A_216, %add3A_217 : i32
          %get3A_219 = arith.index_cast %add3A_218 : i32 to index
          %get3A_220 = tpu.vector_load %arg10[%get3A_219] {strides = array<i32>} : memref<8192xf32, #tpu.memory_space<vmem>>, vector<16xf32>,
          %swap3A_221 = arith.constant 880 : index
          %swap3A_222 = tpu.vector_load %arg9[%swap3A_221] {strides = array<i32>} : memref<2048xf32, #tpu.memory_space<vmem>>, vector<16xf32>,
          tpu.vector_store %arg9[%swap3A_221], %get3A_220 {strides = array<i32>} : memref<2048xf32, #tpu.memory_space<vmem>>, vector<16xf32>,
        } else {
        }
        %get3A_79 = arith.constant 7 : index
        %get3A_80 = tpu.vector_load %arg8[%get3A_79] {strides = array<i32>} : memref<32xi32, #tpu.memory_space<vmem>>, vector<16xi32>,
        %slice3A_81 = vector.extract_strided_slice %get3A_80 {offsets = [0], sizes = [1], strides = [1]} : vector<16xi32> to vector<1xi32>
        %squeeze3A_82 = vector.extract %slice3A_81[0] : i32 from vector<1xi32>
        %ge3A_83 = arith.constant 0 : i32
        %ge3A_84 = arith.cmpi sge, %squeeze3A_82, %ge3A_83 : i32
        %convert_element_type3A_85 = arith.extui %ge3A_84 : i1 to i32
        %cond3A_86 = arith.constant 0 : i32
        %cond3A_87 = arith.cmpi ne, %convert_element_type3A_85, %cond3A_86 : i32
        scf.if %cond3A_87 {
          %mul3A_160 = arith.constant 128 : i32
          %mul3A_161 = arith.muli %squeeze3A_82, %mul3A_160 : i32
          %add3A_162 = arith.constant 0 : i32
          %add3A_163 = arith.addi %mul3A_161, %add3A_162 : i32
          %get3A_164 = arith.index_cast %add3A_163 : i32 to index
          %get3A_165 = tpu.vector_load %arg10[%get3A_164] {strides = array<i32>} : memref<8192xf32, #tpu.memory_space<vmem>>, vector<16xf32>,
          %swap3A = arith.constant 896 : index
          %swap3A_166 = tpu.vector_load %arg9[%swap3A] {strides = array<i32>} : memref<2048xf32, #tpu.memory_space<vmem>>, vector<16xf32>,
          tpu.vector_store %arg9[%swap3A], %get3A_165 {strides = array<i32>} : memref<2048xf32, #tpu.memory_space<vmem>>, vector<16xf32>,
          %mul3A_167 = arith.constant 128 : i32
          %mul3A_168 = arith.muli %squeeze3A_82, %mul3A_167 : i32
          %add3A_169 = arith.constant 16 : i32
          %add3A_170 = arith.addi %mul3A_168, %add3A_169 : i32
          %get3A_171 = arith.index_cast %add3A_170 : i32 to index
          %get3A_172 = tpu.vector_load %arg10[%get3A_171] {strides = array<i32>} : memref<8192xf32, #tpu.memory_space<vmem>>, vector<16xf32>,
          %swap3A_173 = arith.constant 912 : index
          %swap3A_174 = tpu.vector_load %arg9[%swap3A_173] {strides = array<i32>} : memref<2048xf32, #tpu.memory_space<vmem>>, vector<16xf32>,
          tpu.vector_store %arg9[%swap3A_173], %get3A_172 {strides = array<i32>} : memref<2048xf32, #tpu.memory_space<vmem>>, vector<16xf32>,
          %mul3A_175 = arith.constant 128 : i32
          %mul3A_176 = arith.muli %squeeze3A_82, %mul3A_175 : i32
          %add3A_177 = arith.constant 32 : i32
          %add3A_178 = arith.addi %mul3A_176, %add3A_177 : i32
          %get3A_179 = arith.index_cast %add3A_178 : i32 to index
          %get3A_180 = tpu.vector_load %arg10[%get3A_179] {strides = array<i32>} : memref<8192xf32, #tpu.memory_space<vmem>>, vector<16xf32>,
          %swap3A_181 = arith.constant 928 : index
          %swap3A_182 = tpu.vector_load %arg9[%swap3A_181] {strides = array<i32>} : memref<2048xf32, #tpu.memory_space<vmem>>, vector<16xf32>,
          tpu.vector_store %arg9[%swap3A_181], %get3A_180 {strides = array<i32>} : memref<2048xf32, #tpu.memory_space<vmem>>, vector<16xf32>,
          %mul3A_183 = arith.constant 128 : i32
          %mul3A_184 = arith.muli %squeeze3A_82, %mul3A_183 : i32
          %add3A_185 = arith.constant 48 : i32
          %add3A_186 = arith.addi %mul3A_184, %add3A_185 : i32
          %get3A_187 = arith.index_cast %add3A_186 : i32 to index
          %get3A_188 = tpu.vector_load %arg10[%get3A_187] {strides = array<i32>} : memref<8192xf32, #tpu.memory_space<vmem>>, vector<16xf32>,
          %swap3A_189 = arith.constant 944 : index
          %swap3A_190 = tpu.vector_load %arg9[%swap3A_189] {strides = array<i32>} : memref<2048xf32, #tpu.memory_space<vmem>>, vector<16xf32>,
          tpu.vector_store %arg9[%swap3A_189], %get3A_188 {strides = array<i32>} : memref<2048xf32, #tpu.memory_space<vmem>>, vector<16xf32>,
          %mul3A_191 = arith.constant 128 : i32
          %mul3A_192 = arith.muli %squeeze3A_82, %mul3A_191 : i32
          %add3A_193 = arith.constant 64 : i32
          %add3A_194 = arith.addi %mul3A_192, %add3A_193 : i32
          %get3A_195 = arith.index_cast %add3A_194 : i32 to index
          %get3A_196 = tpu.vector_load %arg10[%get3A_195] {strides = array<i32>} : memref<8192xf32, #tpu.memory_space<vmem>>, vector<16xf32>,
          %swap3A_197 = arith.constant 960 : index
          %swap3A_198 = tpu.vector_load %arg9[%swap3A_197] {strides = array<i32>} : memref<2048xf32, #tpu.memory_space<vmem>>, vector<16xf32>,
          tpu.vector_store %arg9[%swap3A_197], %get3A_196 {strides = array<i32>} : memref<2048xf32, #tpu.memory_space<vmem>>, vector<16xf32>,
          %mul3A_199 = arith.constant 128 : i32
          %mul3A_200 = arith.muli %squeeze3A_82, %mul3A_199 : i32
          %add3A_201 = arith.constant 80 : i32
          %add3A_202 = arith.addi %mul3A_200, %add3A_201 : i32
          %get3A_203 = arith.index_cast %add3A_202 : i32 to index
          %get3A_204 = tpu.vector_load %arg10[%get3A_203] {strides = array<i32>} : memref<8192xf32, #tpu.memory_space<vmem>>, vector<16xf32>,
          %swap3A_205 = arith.constant 976 : index
          %swap3A_206 = tpu.vector_load %arg9[%swap3A_205] {strides = array<i32>} : memref<2048xf32, #tpu.memory_space<vmem>>, vector<16xf32>,
          tpu.vector_store %arg9[%swap3A_205], %get3A_204 {strides = array<i32>} : memref<2048xf32, #tpu.memory_space<vmem>>, vector<16xf32>,
          %mul3A_207 = arith.constant 128 : i32
          %mul3A_208 = arith.muli %squeeze3A_82, %mul3A_207 : i32
          %add3A_209 = arith.constant 96 : i32
          %add3A_210 = arith.addi %mul3A_208, %add3A_209 : i32
          %get3A_211 = arith.index_cast %add3A_210 : i32 to index
          %get3A_212 = tpu.vector_load %arg10[%get3A_211] {strides = array<i32>} : memref<8192xf32, #tpu.memory_space<vmem>>, vector<16xf32>,
          %swap3A_213 = arith.constant 992 : index
          %swap3A_214 = tpu.vector_load %arg9[%swap3A_213] {strides = array<i32>} : memref<2048xf32, #tpu.memory_space<vmem>>, vector<16xf32>,
          tpu.vector_store %arg9[%swap3A_213], %get3A_212 {strides = array<i32>} : memref<2048xf32, #tpu.memory_space<vmem>>, vector<16xf32>,
          %mul3A_215 = arith.constant 128 : i32
          %mul3A_216 = arith.muli %squeeze3A_82, %mul3A_215 : i32
          %add3A_217 = arith.constant 112 : i32
          %add3A_218 = arith.addi %mul3A_216, %add3A_217 : i32
          %get3A_219 = arith.index_cast %add3A_218 : i32 to index
          %get3A_220 = tpu.vector_load %arg10[%get3A_219] {strides = array<i32>} : memref<8192xf32, #tpu.memory_space<vmem>>, vector<16xf32>,
          %swap3A_221 = arith.constant 1008 : index
          %swap3A_222 = tpu.vector_load %arg9[%swap3A_221] {strides = array<i32>} : memref<2048xf32, #tpu.memory_space<vmem>>, vector<16xf32>,
          tpu.vector_store %arg9[%swap3A_221], %get3A_220 {strides = array<i32>} : memref<2048xf32, #tpu.memory_space<vmem>>, vector<16xf32>,
        } else {
        }
        %get3A_88 = arith.constant 8 : index
        %get3A_89 = tpu.vector_load %arg8[%get3A_88] {strides = array<i32>} : memref<32xi32, #tpu.memory_space<vmem>>, vector<16xi32>,
        %slice3A_90 = vector.extract_strided_slice %get3A_89 {offsets = [0], sizes = [1], strides = [1]} : vector<16xi32> to vector<1xi32>
        %squeeze3A_91 = vector.extract %slice3A_90[0] : i32 from vector<1xi32>
        %ge3A_92 = arith.constant 0 : i32
        %ge3A_93 = arith.cmpi sge, %squeeze3A_91, %ge3A_92 : i32
        %convert_element_type3A_94 = arith.extui %ge3A_93 : i1 to i32
        %cond3A_95 = arith.constant 0 : i32
        %cond3A_96 = arith.cmpi ne, %convert_element_type3A_94, %cond3A_95 : i32
        scf.if %cond3A_96 {
          %mul3A_160 = arith.constant 128 : i32
          %mul3A_161 = arith.muli %squeeze3A_91, %mul3A_160 : i32
          %add3A_162 = arith.constant 0 : i32
          %add3A_163 = arith.addi %mul3A_161, %add3A_162 : i32
          %get3A_164 = arith.index_cast %add3A_163 : i32 to index
          %get3A_165 = tpu.vector_load %arg10[%get3A_164] {strides = array<i32>} : memref<8192xf32, #tpu.memory_space<vmem>>, vector<16xf32>,
          %swap3A = arith.constant 1024 : index
          %swap3A_166 = tpu.vector_load %arg9[%swap3A] {strides = array<i32>} : memref<2048xf32, #tpu.memory_space<vmem>>, vector<16xf32>,
          tpu.vector_store %arg9[%swap3A], %get3A_165 {strides = array<i32>} : memref<2048xf32, #tpu.memory_space<vmem>>, vector<16xf32>,
          %mul3A_167 = arith.constant 128 : i32
          %mul3A_168 = arith.muli %squeeze3A_91, %mul3A_167 : i32
          %add3A_169 = arith.constant 16 : i32
          %add3A_170 = arith.addi %mul3A_168, %add3A_169 : i32
          %get3A_171 = arith.index_cast %add3A_170 : i32 to index
          %get3A_172 = tpu.vector_load %arg10[%get3A_171] {strides = array<i32>} : memref<8192xf32, #tpu.memory_space<vmem>>, vector<16xf32>,
          %swap3A_173 = arith.constant 1040 : index
          %swap3A_174 = tpu.vector_load %arg9[%swap3A_173] {strides = array<i32>} : memref<2048xf32, #tpu.memory_space<vmem>>, vector<16xf32>,
          tpu.vector_store %arg9[%swap3A_173], %get3A_172 {strides = array<i32>} : memref<2048xf32, #tpu.memory_space<vmem>>, vector<16xf32>,
          %mul3A_175 = arith.constant 128 : i32
          %mul3A_176 = arith.muli %squeeze3A_91, %mul3A_175 : i32
          %add3A_177 = arith.constant 32 : i32
          %add3A_178 = arith.addi %mul3A_176, %add3A_177 : i32
          %get3A_179 = arith.index_cast %add3A_178 : i32 to index
          %get3A_180 = tpu.vector_load %arg10[%get3A_179] {strides = array<i32>} : memref<8192xf32, #tpu.memory_space<vmem>>, vector<16xf32>,
          %swap3A_181 = arith.constant 1056 : index
          %swap3A_182 = tpu.vector_load %arg9[%swap3A_181] {strides = array<i32>} : memref<2048xf32, #tpu.memory_space<vmem>>, vector<16xf32>,
          tpu.vector_store %arg9[%swap3A_181], %get3A_180 {strides = array<i32>} : memref<2048xf32, #tpu.memory_space<vmem>>, vector<16xf32>,
          %mul3A_183 = arith.constant 128 : i32
          %mul3A_184 = arith.muli %squeeze3A_91, %mul3A_183 : i32
          %add3A_185 = arith.constant 48 : i32
          %add3A_186 = arith.addi %mul3A_184, %add3A_185 : i32
          %get3A_187 = arith.index_cast %add3A_186 : i32 to index
          %get3A_188 = tpu.vector_load %arg10[%get3A_187] {strides = array<i32>} : memref<8192xf32, #tpu.memory_space<vmem>>, vector<16xf32>,
          %swap3A_189 = arith.constant 1072 : index
          %swap3A_190 = tpu.vector_load %arg9[%swap3A_189] {strides = array<i32>} : memref<2048xf32, #tpu.memory_space<vmem>>, vector<16xf32>,
          tpu.vector_store %arg9[%swap3A_189], %get3A_188 {strides = array<i32>} : memref<2048xf32, #tpu.memory_space<vmem>>, vector<16xf32>,
          %mul3A_191 = arith.constant 128 : i32
          %mul3A_192 = arith.muli %squeeze3A_91, %mul3A_191 : i32
          %add3A_193 = arith.constant 64 : i32
          %add3A_194 = arith.addi %mul3A_192, %add3A_193 : i32
          %get3A_195 = arith.index_cast %add3A_194 : i32 to index
          %get3A_196 = tpu.vector_load %arg10[%get3A_195] {strides = array<i32>} : memref<8192xf32, #tpu.memory_space<vmem>>, vector<16xf32>,
          %swap3A_197 = arith.constant 1088 : index
          %swap3A_198 = tpu.vector_load %arg9[%swap3A_197] {strides = array<i32>} : memref<2048xf32, #tpu.memory_space<vmem>>, vector<16xf32>,
          tpu.vector_store %arg9[%swap3A_197], %get3A_196 {strides = array<i32>} : memref<2048xf32, #tpu.memory_space<vmem>>, vector<16xf32>,
          %mul3A_199 = arith.constant 128 : i32
          %mul3A_200 = arith.muli %squeeze3A_91, %mul3A_199 : i32
          %add3A_201 = arith.constant 80 : i32
          %add3A_202 = arith.addi %mul3A_200, %add3A_201 : i32
          %get3A_203 = arith.index_cast %add3A_202 : i32 to index
          %get3A_204 = tpu.vector_load %arg10[%get3A_203] {strides = array<i32>} : memref<8192xf32, #tpu.memory_space<vmem>>, vector<16xf32>,
          %swap3A_205 = arith.constant 1104 : index
          %swap3A_206 = tpu.vector_load %arg9[%swap3A_205] {strides = array<i32>} : memref<2048xf32, #tpu.memory_space<vmem>>, vector<16xf32>,
          tpu.vector_store %arg9[%swap3A_205], %get3A_204 {strides = array<i32>} : memref<2048xf32, #tpu.memory_space<vmem>>, vector<16xf32>,
          %mul3A_207 = arith.constant 128 : i32
          %mul3A_208 = arith.muli %squeeze3A_91, %mul3A_207 : i32
          %add3A_209 = arith.constant 96 : i32
          %add3A_210 = arith.addi %mul3A_208, %add3A_209 : i32
          %get3A_211 = arith.index_cast %add3A_210 : i32 to index
          %get3A_212 = tpu.vector_load %arg10[%get3A_211] {strides = array<i32>} : memref<8192xf32, #tpu.memory_space<vmem>>, vector<16xf32>,
          %swap3A_213 = arith.constant 1120 : index
          %swap3A_214 = tpu.vector_load %arg9[%swap3A_213] {strides = array<i32>} : memref<2048xf32, #tpu.memory_space<vmem>>, vector<16xf32>,
          tpu.vector_store %arg9[%swap3A_213], %get3A_212 {strides = array<i32>} : memref<2048xf32, #tpu.memory_space<vmem>>, vector<16xf32>,
          %mul3A_215 = arith.constant 128 : i32
          %mul3A_216 = arith.muli %squeeze3A_91, %mul3A_215 : i32
          %add3A_217 = arith.constant 112 : i32
          %add3A_218 = arith.addi %mul3A_216, %add3A_217 : i32
          %get3A_219 = arith.index_cast %add3A_218 : i32 to index
          %get3A_220 = tpu.vector_load %arg10[%get3A_219] {strides = array<i32>} : memref<8192xf32, #tpu.memory_space<vmem>>, vector<16xf32>,
          %swap3A_221 = arith.constant 1136 : index
          %swap3A_222 = tpu.vector_load %arg9[%swap3A_221] {strides = array<i32>} : memref<2048xf32, #tpu.memory_space<vmem>>, vector<16xf32>,
          tpu.vector_store %arg9[%swap3A_221], %get3A_220 {strides = array<i32>} : memref<2048xf32, #tpu.memory_space<vmem>>, vector<16xf32>,
        } else {
        }
        %get3A_97 = arith.constant 9 : index
        %get3A_98 = tpu.vector_load %arg8[%get3A_97] {strides = array<i32>} : memref<32xi32, #tpu.memory_space<vmem>>, vector<16xi32>,
        %slice3A_99 = vector.extract_strided_slice %get3A_98 {offsets = [0], sizes = [1], strides = [1]} : vector<16xi32> to vector<1xi32>
        %squeeze3A_100 = vector.extract %slice3A_99[0] : i32 from vector<1xi32>
        %ge3A_101 = arith.constant 0 : i32
        %ge3A_102 = arith.cmpi sge, %squeeze3A_100, %ge3A_101 : i32
        %convert_element_type3A_103 = arith.extui %ge3A_102 : i1 to i32
        %cond3A_104 = arith.constant 0 : i32
        %cond3A_105 = arith.cmpi ne, %convert_element_type3A_103, %cond3A_104 : i32
        scf.if %cond3A_105 {
          %mul3A_160 = arith.constant 128 : i32
          %mul3A_161 = arith.muli %squeeze3A_100, %mul3A_160 : i32
          %add3A_162 = arith.constant 0 : i32
          %add3A_163 = arith.addi %mul3A_161, %add3A_162 : i32
          %get3A_164 = arith.index_cast %add3A_163 : i32 to index
          %get3A_165 = tpu.vector_load %arg10[%get3A_164] {strides = array<i32>} : memref<8192xf32, #tpu.memory_space<vmem>>, vector<16xf32>,
          %swap3A = arith.constant 1152 : index
          %swap3A_166 = tpu.vector_load %arg9[%swap3A] {strides = array<i32>} : memref<2048xf32, #tpu.memory_space<vmem>>, vector<16xf32>,
          tpu.vector_store %arg9[%swap3A], %get3A_165 {strides = array<i32>} : memref<2048xf32, #tpu.memory_space<vmem>>, vector<16xf32>,
          %mul3A_167 = arith.constant 128 : i32
          %mul3A_168 = arith.muli %squeeze3A_100, %mul3A_167 : i32
          %add3A_169 = arith.constant 16 : i32
          %add3A_170 = arith.addi %mul3A_168, %add3A_169 : i32
          %get3A_171 = arith.index_cast %add3A_170 : i32 to index
          %get3A_172 = tpu.vector_load %arg10[%get3A_171] {strides = array<i32>} : memref<8192xf32, #tpu.memory_space<vmem>>, vector<16xf32>,
          %swap3A_173 = arith.constant 1168 : index
          %swap3A_174 = tpu.vector_load %arg9[%swap3A_173] {strides = array<i32>} : memref<2048xf32, #tpu.memory_space<vmem>>, vector<16xf32>,
          tpu.vector_store %arg9[%swap3A_173], %get3A_172 {strides = array<i32>} : memref<2048xf32, #tpu.memory_space<vmem>>, vector<16xf32>,
          %mul3A_175 = arith.constant 128 : i32
          %mul3A_176 = arith.muli %squeeze3A_100, %mul3A_175 : i32
          %add3A_177 = arith.constant 32 : i32
          %add3A_178 = arith.addi %mul3A_176, %add3A_177 : i32
          %get3A_179 = arith.index_cast %add3A_178 : i32 to index
          %get3A_180 = tpu.vector_load %arg10[%get3A_179] {strides = array<i32>} : memref<8192xf32, #tpu.memory_space<vmem>>, vector<16xf32>,
          %swap3A_181 = arith.constant 1184 : index
          %swap3A_182 = tpu.vector_load %arg9[%swap3A_181] {strides = array<i32>} : memref<2048xf32, #tpu.memory_space<vmem>>, vector<16xf32>,
          tpu.vector_store %arg9[%swap3A_181], %get3A_180 {strides = array<i32>} : memref<2048xf32, #tpu.memory_space<vmem>>, vector<16xf32>,
          %mul3A_183 = arith.constant 128 : i32
          %mul3A_184 = arith.muli %squeeze3A_100, %mul3A_183 : i32
          %add3A_185 = arith.constant 48 : i32
          %add3A_186 = arith.addi %mul3A_184, %add3A_185 : i32
          %get3A_187 = arith.index_cast %add3A_186 : i32 to index
          %get3A_188 = tpu.vector_load %arg10[%get3A_187] {strides = array<i32>} : memref<8192xf32, #tpu.memory_space<vmem>>, vector<16xf32>,
          %swap3A_189 = arith.constant 1200 : index
          %swap3A_190 = tpu.vector_load %arg9[%swap3A_189] {strides = array<i32>} : memref<2048xf32, #tpu.memory_space<vmem>>, vector<16xf32>,
          tpu.vector_store %arg9[%swap3A_189], %get3A_188 {strides = array<i32>} : memref<2048xf32, #tpu.memory_space<vmem>>, vector<16xf32>,
          %mul3A_191 = arith.constant 128 : i32
          %mul3A_192 = arith.muli %squeeze3A_100, %mul3A_191 : i32
          %add3A_193 = arith.constant 64 : i32
          %add3A_194 = arith.addi %mul3A_192, %add3A_193 : i32
          %get3A_195 = arith.index_cast %add3A_194 : i32 to index
          %get3A_196 = tpu.vector_load %arg10[%get3A_195] {strides = array<i32>} : memref<8192xf32, #tpu.memory_space<vmem>>, vector<16xf32>,
          %swap3A_197 = arith.constant 1216 : index
          %swap3A_198 = tpu.vector_load %arg9[%swap3A_197] {strides = array<i32>} : memref<2048xf32, #tpu.memory_space<vmem>>, vector<16xf32>,
          tpu.vector_store %arg9[%swap3A_197], %get3A_196 {strides = array<i32>} : memref<2048xf32, #tpu.memory_space<vmem>>, vector<16xf32>,
          %mul3A_199 = arith.constant 128 : i32
          %mul3A_200 = arith.muli %squeeze3A_100, %mul3A_199 : i32
          %add3A_201 = arith.constant 80 : i32
          %add3A_202 = arith.addi %mul3A_200, %add3A_201 : i32
          %get3A_203 = arith.index_cast %add3A_202 : i32 to index
          %get3A_204 = tpu.vector_load %arg10[%get3A_203] {strides = array<i32>} : memref<8192xf32, #tpu.memory_space<vmem>>, vector<16xf32>,
          %swap3A_205 = arith.constant 1232 : index
          %swap3A_206 = tpu.vector_load %arg9[%swap3A_205] {strides = array<i32>} : memref<2048xf32, #tpu.memory_space<vmem>>, vector<16xf32>,
          tpu.vector_store %arg9[%swap3A_205], %get3A_204 {strides = array<i32>} : memref<2048xf32, #tpu.memory_space<vmem>>, vector<16xf32>,
          %mul3A_207 = arith.constant 128 : i32
          %mul3A_208 = arith.muli %squeeze3A_100, %mul3A_207 : i32
          %add3A_209 = arith.constant 96 : i32
          %add3A_210 = arith.addi %mul3A_208, %add3A_209 : i32
          %get3A_211 = arith.index_cast %add3A_210 : i32 to index
          %get3A_212 = tpu.vector_load %arg10[%get3A_211] {strides = array<i32>} : memref<8192xf32, #tpu.memory_space<vmem>>, vector<16xf32>,
          %swap3A_213 = arith.constant 1248 : index
          %swap3A_214 = tpu.vector_load %arg9[%swap3A_213] {strides = array<i32>} : memref<2048xf32, #tpu.memory_space<vmem>>, vector<16xf32>,
          tpu.vector_store %arg9[%swap3A_213], %get3A_212 {strides = array<i32>} : memref<2048xf32, #tpu.memory_space<vmem>>, vector<16xf32>,
          %mul3A_215 = arith.constant 128 : i32
          %mul3A_216 = arith.muli %squeeze3A_100, %mul3A_215 : i32
          %add3A_217 = arith.constant 112 : i32
          %add3A_218 = arith.addi %mul3A_216, %add3A_217 : i32
          %get3A_219 = arith.index_cast %add3A_218 : i32 to index
          %get3A_220 = tpu.vector_load %arg10[%get3A_219] {strides = array<i32>} : memref<8192xf32, #tpu.memory_space<vmem>>, vector<16xf32>,
          %swap3A_221 = arith.constant 1264 : index
          %swap3A_222 = tpu.vector_load %arg9[%swap3A_221] {strides = array<i32>} : memref<2048xf32, #tpu.memory_space<vmem>>, vector<16xf32>,
          tpu.vector_store %arg9[%swap3A_221], %get3A_220 {strides = array<i32>} : memref<2048xf32, #tpu.memory_space<vmem>>, vector<16xf32>,
        } else {
        }
        %get3A_106 = arith.constant 10 : index
        %get3A_107 = tpu.vector_load %arg8[%get3A_106] {strides = array<i32>} : memref<32xi32, #tpu.memory_space<vmem>>, vector<16xi32>,
        %slice3A_108 = vector.extract_strided_slice %get3A_107 {offsets = [0], sizes = [1], strides = [1]} : vector<16xi32> to vector<1xi32>
        %squeeze3A_109 = vector.extract %slice3A_108[0] : i32 from vector<1xi32>
        %ge3A_110 = arith.constant 0 : i32
        %ge3A_111 = arith.cmpi sge, %squeeze3A_109, %ge3A_110 : i32
        %convert_element_type3A_112 = arith.extui %ge3A_111 : i1 to i32
        %cond3A_113 = arith.constant 0 : i32
        %cond3A_114 = arith.cmpi ne, %convert_element_type3A_112, %cond3A_113 : i32
        scf.if %cond3A_114 {
          %mul3A_160 = arith.constant 128 : i32
          %mul3A_161 = arith.muli %squeeze3A_109, %mul3A_160 : i32
          %add3A_162 = arith.constant 0 : i32
          %add3A_163 = arith.addi %mul3A_161, %add3A_162 : i32
          %get3A_164 = arith.index_cast %add3A_163 : i32 to index
          %get3A_165 = tpu.vector_load %arg10[%get3A_164] {strides = array<i32>} : memref<8192xf32, #tpu.memory_space<vmem>>, vector<16xf32>,
          %swap3A = arith.constant 1280 : index
          %swap3A_166 = tpu.vector_load %arg9[%swap3A] {strides = array<i32>} : memref<2048xf32, #tpu.memory_space<vmem>>, vector<16xf32>,
          tpu.vector_store %arg9[%swap3A], %get3A_165 {strides = array<i32>} : memref<2048xf32, #tpu.memory_space<vmem>>, vector<16xf32>,
          %mul3A_167 = arith.constant 128 : i32
          %mul3A_168 = arith.muli %squeeze3A_109, %mul3A_167 : i32
          %add3A_169 = arith.constant 16 : i32
          %add3A_170 = arith.addi %mul3A_168, %add3A_169 : i32
          %get3A_171 = arith.index_cast %add3A_170 : i32 to index
          %get3A_172 = tpu.vector_load %arg10[%get3A_171] {strides = array<i32>} : memref<8192xf32, #tpu.memory_space<vmem>>, vector<16xf32>,
          %swap3A_173 = arith.constant 1296 : index
          %swap3A_174 = tpu.vector_load %arg9[%swap3A_173] {strides = array<i32>} : memref<2048xf32, #tpu.memory_space<vmem>>, vector<16xf32>,
          tpu.vector_store %arg9[%swap3A_173], %get3A_172 {strides = array<i32>} : memref<2048xf32, #tpu.memory_space<vmem>>, vector<16xf32>,
          %mul3A_175 = arith.constant 128 : i32
          %mul3A_176 = arith.muli %squeeze3A_109, %mul3A_175 : i32
          %add3A_177 = arith.constant 32 : i32
          %add3A_178 = arith.addi %mul3A_176, %add3A_177 : i32
          %get3A_179 = arith.index_cast %add3A_178 : i32 to index
          %get3A_180 = tpu.vector_load %arg10[%get3A_179] {strides = array<i32>} : memref<8192xf32, #tpu.memory_space<vmem>>, vector<16xf32>,
          %swap3A_181 = arith.constant 1312 : index
          %swap3A_182 = tpu.vector_load %arg9[%swap3A_181] {strides = array<i32>} : memref<2048xf32, #tpu.memory_space<vmem>>, vector<16xf32>,
          tpu.vector_store %arg9[%swap3A_181], %get3A_180 {strides = array<i32>} : memref<2048xf32, #tpu.memory_space<vmem>>, vector<16xf32>,
          %mul3A_183 = arith.constant 128 : i32
          %mul3A_184 = arith.muli %squeeze3A_109, %mul3A_183 : i32
          %add3A_185 = arith.constant 48 : i32
          %add3A_186 = arith.addi %mul3A_184, %add3A_185 : i32
          %get3A_187 = arith.index_cast %add3A_186 : i32 to index
          %get3A_188 = tpu.vector_load %arg10[%get3A_187] {strides = array<i32>} : memref<8192xf32, #tpu.memory_space<vmem>>, vector<16xf32>,
          %swap3A_189 = arith.constant 1328 : index
          %swap3A_190 = tpu.vector_load %arg9[%swap3A_189] {strides = array<i32>} : memref<2048xf32, #tpu.memory_space<vmem>>, vector<16xf32>,
          tpu.vector_store %arg9[%swap3A_189], %get3A_188 {strides = array<i32>} : memref<2048xf32, #tpu.memory_space<vmem>>, vector<16xf32>,
          %mul3A_191 = arith.constant 128 : i32
          %mul3A_192 = arith.muli %squeeze3A_109, %mul3A_191 : i32
          %add3A_193 = arith.constant 64 : i32
          %add3A_194 = arith.addi %mul3A_192, %add3A_193 : i32
          %get3A_195 = arith.index_cast %add3A_194 : i32 to index
          %get3A_196 = tpu.vector_load %arg10[%get3A_195] {strides = array<i32>} : memref<8192xf32, #tpu.memory_space<vmem>>, vector<16xf32>,
          %swap3A_197 = arith.constant 1344 : index
          %swap3A_198 = tpu.vector_load %arg9[%swap3A_197] {strides = array<i32>} : memref<2048xf32, #tpu.memory_space<vmem>>, vector<16xf32>,
          tpu.vector_store %arg9[%swap3A_197], %get3A_196 {strides = array<i32>} : memref<2048xf32, #tpu.memory_space<vmem>>, vector<16xf32>,
          %mul3A_199 = arith.constant 128 : i32
          %mul3A_200 = arith.muli %squeeze3A_109, %mul3A_199 : i32
          %add3A_201 = arith.constant 80 : i32
          %add3A_202 = arith.addi %mul3A_200, %add3A_201 : i32
          %get3A_203 = arith.index_cast %add3A_202 : i32 to index
          %get3A_204 = tpu.vector_load %arg10[%get3A_203] {strides = array<i32>} : memref<8192xf32, #tpu.memory_space<vmem>>, vector<16xf32>,
          %swap3A_205 = arith.constant 1360 : index
          %swap3A_206 = tpu.vector_load %arg9[%swap3A_205] {strides = array<i32>} : memref<2048xf32, #tpu.memory_space<vmem>>, vector<16xf32>,
          tpu.vector_store %arg9[%swap3A_205], %get3A_204 {strides = array<i32>} : memref<2048xf32, #tpu.memory_space<vmem>>, vector<16xf32>,
          %mul3A_207 = arith.constant 128 : i32
          %mul3A_208 = arith.muli %squeeze3A_109, %mul3A_207 : i32
          %add3A_209 = arith.constant 96 : i32
          %add3A_210 = arith.addi %mul3A_208, %add3A_209 : i32
          %get3A_211 = arith.index_cast %add3A_210 : i32 to index
          %get3A_212 = tpu.vector_load %arg10[%get3A_211] {strides = array<i32>} : memref<8192xf32, #tpu.memory_space<vmem>>, vector<16xf32>,
          %swap3A_213 = arith.constant 1376 : index
          %swap3A_214 = tpu.vector_load %arg9[%swap3A_213] {strides = array<i32>} : memref<2048xf32, #tpu.memory_space<vmem>>, vector<16xf32>,
          tpu.vector_store %arg9[%swap3A_213], %get3A_212 {strides = array<i32>} : memref<2048xf32, #tpu.memory_space<vmem>>, vector<16xf32>,
          %mul3A_215 = arith.constant 128 : i32
          %mul3A_216 = arith.muli %squeeze3A_109, %mul3A_215 : i32
          %add3A_217 = arith.constant 112 : i32
          %add3A_218 = arith.addi %mul3A_216, %add3A_217 : i32
          %get3A_219 = arith.index_cast %add3A_218 : i32 to index
          %get3A_220 = tpu.vector_load %arg10[%get3A_219] {strides = array<i32>} : memref<8192xf32, #tpu.memory_space<vmem>>, vector<16xf32>,
          %swap3A_221 = arith.constant 1392 : index
          %swap3A_222 = tpu.vector_load %arg9[%swap3A_221] {strides = array<i32>} : memref<2048xf32, #tpu.memory_space<vmem>>, vector<16xf32>,
          tpu.vector_store %arg9[%swap3A_221], %get3A_220 {strides = array<i32>} : memref<2048xf32, #tpu.memory_space<vmem>>, vector<16xf32>,
        } else {
        }
        %get3A_115 = arith.constant 11 : index
        %get3A_116 = tpu.vector_load %arg8[%get3A_115] {strides = array<i32>} : memref<32xi32, #tpu.memory_space<vmem>>, vector<16xi32>,
        %slice3A_117 = vector.extract_strided_slice %get3A_116 {offsets = [0], sizes = [1], strides = [1]} : vector<16xi32> to vector<1xi32>
        %squeeze3A_118 = vector.extract %slice3A_117[0] : i32 from vector<1xi32>
        %ge3A_119 = arith.constant 0 : i32
        %ge3A_120 = arith.cmpi sge, %squeeze3A_118, %ge3A_119 : i32
        %convert_element_type3A_121 = arith.extui %ge3A_120 : i1 to i32
        %cond3A_122 = arith.constant 0 : i32
        %cond3A_123 = arith.cmpi ne, %convert_element_type3A_121, %cond3A_122 : i32
        scf.if %cond3A_123 {
          %mul3A_160 = arith.constant 128 : i32
          %mul3A_161 = arith.muli %squeeze3A_118, %mul3A_160 : i32
          %add3A_162 = arith.constant 0 : i32
          %add3A_163 = arith.addi %mul3A_161, %add3A_162 : i32
          %get3A_164 = arith.index_cast %add3A_163 : i32 to index
          %get3A_165 = tpu.vector_load %arg10[%get3A_164] {strides = array<i32>} : memref<8192xf32, #tpu.memory_space<vmem>>, vector<16xf32>,
          %swap3A = arith.constant 1408 : index
          %swap3A_166 = tpu.vector_load %arg9[%swap3A] {strides = array<i32>} : memref<2048xf32, #tpu.memory_space<vmem>>, vector<16xf32>,
          tpu.vector_store %arg9[%swap3A], %get3A_165 {strides = array<i32>} : memref<2048xf32, #tpu.memory_space<vmem>>, vector<16xf32>,
          %mul3A_167 = arith.constant 128 : i32
          %mul3A_168 = arith.muli %squeeze3A_118, %mul3A_167 : i32
          %add3A_169 = arith.constant 16 : i32
          %add3A_170 = arith.addi %mul3A_168, %add3A_169 : i32
          %get3A_171 = arith.index_cast %add3A_170 : i32 to index
          %get3A_172 = tpu.vector_load %arg10[%get3A_171] {strides = array<i32>} : memref<8192xf32, #tpu.memory_space<vmem>>, vector<16xf32>,
          %swap3A_173 = arith.constant 1424 : index
          %swap3A_174 = tpu.vector_load %arg9[%swap3A_173] {strides = array<i32>} : memref<2048xf32, #tpu.memory_space<vmem>>, vector<16xf32>,
          tpu.vector_store %arg9[%swap3A_173], %get3A_172 {strides = array<i32>} : memref<2048xf32, #tpu.memory_space<vmem>>, vector<16xf32>,
          %mul3A_175 = arith.constant 128 : i32
          %mul3A_176 = arith.muli %squeeze3A_118, %mul3A_175 : i32
          %add3A_177 = arith.constant 32 : i32
          %add3A_178 = arith.addi %mul3A_176, %add3A_177 : i32
          %get3A_179 = arith.index_cast %add3A_178 : i32 to index
          %get3A_180 = tpu.vector_load %arg10[%get3A_179] {strides = array<i32>} : memref<8192xf32, #tpu.memory_space<vmem>>, vector<16xf32>,
          %swap3A_181 = arith.constant 1440 : index
          %swap3A_182 = tpu.vector_load %arg9[%swap3A_181] {strides = array<i32>} : memref<2048xf32, #tpu.memory_space<vmem>>, vector<16xf32>,
          tpu.vector_store %arg9[%swap3A_181], %get3A_180 {strides = array<i32>} : memref<2048xf32, #tpu.memory_space<vmem>>, vector<16xf32>,
          %mul3A_183 = arith.constant 128 : i32
          %mul3A_184 = arith.muli %squeeze3A_118, %mul3A_183 : i32
          %add3A_185 = arith.constant 48 : i32
          %add3A_186 = arith.addi %mul3A_184, %add3A_185 : i32
          %get3A_187 = arith.index_cast %add3A_186 : i32 to index
          %get3A_188 = tpu.vector_load %arg10[%get3A_187] {strides = array<i32>} : memref<8192xf32, #tpu.memory_space<vmem>>, vector<16xf32>,
          %swap3A_189 = arith.constant 1456 : index
          %swap3A_190 = tpu.vector_load %arg9[%swap3A_189] {strides = array<i32>} : memref<2048xf32, #tpu.memory_space<vmem>>, vector<16xf32>,
          tpu.vector_store %arg9[%swap3A_189], %get3A_188 {strides = array<i32>} : memref<2048xf32, #tpu.memory_space<vmem>>, vector<16xf32>,
          %mul3A_191 = arith.constant 128 : i32
          %mul3A_192 = arith.muli %squeeze3A_118, %mul3A_191 : i32
          %add3A_193 = arith.constant 64 : i32
          %add3A_194 = arith.addi %mul3A_192, %add3A_193 : i32
          %get3A_195 = arith.index_cast %add3A_194 : i32 to index
          %get3A_196 = tpu.vector_load %arg10[%get3A_195] {strides = array<i32>} : memref<8192xf32, #tpu.memory_space<vmem>>, vector<16xf32>,
          %swap3A_197 = arith.constant 1472 : index
          %swap3A_198 = tpu.vector_load %arg9[%swap3A_197] {strides = array<i32>} : memref<2048xf32, #tpu.memory_space<vmem>>, vector<16xf32>,
          tpu.vector_store %arg9[%swap3A_197], %get3A_196 {strides = array<i32>} : memref<2048xf32, #tpu.memory_space<vmem>>, vector<16xf32>,
          %mul3A_199 = arith.constant 128 : i32
          %mul3A_200 = arith.muli %squeeze3A_118, %mul3A_199 : i32
          %add3A_201 = arith.constant 80 : i32
          %add3A_202 = arith.addi %mul3A_200, %add3A_201 : i32
          %get3A_203 = arith.index_cast %add3A_202 : i32 to index
          %get3A_204 = tpu.vector_load %arg10[%get3A_203] {strides = array<i32>} : memref<8192xf32, #tpu.memory_space<vmem>>, vector<16xf32>,
          %swap3A_205 = arith.constant 1488 : index
          %swap3A_206 = tpu.vector_load %arg9[%swap3A_205] {strides = array<i32>} : memref<2048xf32, #tpu.memory_space<vmem>>, vector<16xf32>,
          tpu.vector_store %arg9[%swap3A_205], %get3A_204 {strides = array<i32>} : memref<2048xf32, #tpu.memory_space<vmem>>, vector<16xf32>,
          %mul3A_207 = arith.constant 128 : i32
          %mul3A_208 = arith.muli %squeeze3A_118, %mul3A_207 : i32
          %add3A_209 = arith.constant 96 : i32
          %add3A_210 = arith.addi %mul3A_208, %add3A_209 : i32
          %get3A_211 = arith.index_cast %add3A_210 : i32 to index
          %get3A_212 = tpu.vector_load %arg10[%get3A_211] {strides = array<i32>} : memref<8192xf32, #tpu.memory_space<vmem>>, vector<16xf32>,
          %swap3A_213 = arith.constant 1504 : index
          %swap3A_214 = tpu.vector_load %arg9[%swap3A_213] {strides = array<i32>} : memref<2048xf32, #tpu.memory_space<vmem>>, vector<16xf32>,
          tpu.vector_store %arg9[%swap3A_213], %get3A_212 {strides = array<i32>} : memref<2048xf32, #tpu.memory_space<vmem>>, vector<16xf32>,
          %mul3A_215 = arith.constant 128 : i32
          %mul3A_216 = arith.muli %squeeze3A_118, %mul3A_215 : i32
          %add3A_217 = arith.constant 112 : i32
          %add3A_218 = arith.addi %mul3A_216, %add3A_217 : i32
          %get3A_219 = arith.index_cast %add3A_218 : i32 to index
          %get3A_220 = tpu.vector_load %arg10[%get3A_219] {strides = array<i32>} : memref<8192xf32, #tpu.memory_space<vmem>>, vector<16xf32>,
          %swap3A_221 = arith.constant 1520 : index
          %swap3A_222 = tpu.vector_load %arg9[%swap3A_221] {strides = array<i32>} : memref<2048xf32, #tpu.memory_space<vmem>>, vector<16xf32>,
          tpu.vector_store %arg9[%swap3A_221], %get3A_220 {strides = array<i32>} : memref<2048xf32, #tpu.memory_space<vmem>>, vector<16xf32>,
        } else {
        }
        %get3A_124 = arith.constant 12 : index
        %get3A_125 = tpu.vector_load %arg8[%get3A_124] {strides = array<i32>} : memref<32xi32, #tpu.memory_space<vmem>>, vector<16xi32>,
        %slice3A_126 = vector.extract_strided_slice %get3A_125 {offsets = [0], sizes = [1], strides = [1]} : vector<16xi32> to vector<1xi32>
        %squeeze3A_127 = vector.extract %slice3A_126[0] : i32 from vector<1xi32>
        %ge3A_128 = arith.constant 0 : i32
        %ge3A_129 = arith.cmpi sge, %squeeze3A_127, %ge3A_128 : i32
        %convert_element_type3A_130 = arith.extui %ge3A_129 : i1 to i32
        %cond3A_131 = arith.constant 0 : i32
        %cond3A_132 = arith.cmpi ne, %convert_element_type3A_130, %cond3A_131 : i32
        scf.if %cond3A_132 {
          %mul3A_160 = arith.constant 128 : i32
          %mul3A_161 = arith.muli %squeeze3A_127, %mul3A_160 : i32
          %add3A_162 = arith.constant 0 : i32
          %add3A_163 = arith.addi %mul3A_161, %add3A_162 : i32
          %get3A_164 = arith.index_cast %add3A_163 : i32 to index
          %get3A_165 = tpu.vector_load %arg10[%get3A_164] {strides = array<i32>} : memref<8192xf32, #tpu.memory_space<vmem>>, vector<16xf32>,
          %swap3A = arith.constant 1536 : index
          %swap3A_166 = tpu.vector_load %arg9[%swap3A] {strides = array<i32>} : memref<2048xf32, #tpu.memory_space<vmem>>, vector<16xf32>,
          tpu.vector_store %arg9[%swap3A], %get3A_165 {strides = array<i32>} : memref<2048xf32, #tpu.memory_space<vmem>>, vector<16xf32>,
          %mul3A_167 = arith.constant 128 : i32
          %mul3A_168 = arith.muli %squeeze3A_127, %mul3A_167 : i32
          %add3A_169 = arith.constant 16 : i32
          %add3A_170 = arith.addi %mul3A_168, %add3A_169 : i32
          %get3A_171 = arith.index_cast %add3A_170 : i32 to index
          %get3A_172 = tpu.vector_load %arg10[%get3A_171] {strides = array<i32>} : memref<8192xf32, #tpu.memory_space<vmem>>, vector<16xf32>,
          %swap3A_173 = arith.constant 1552 : index
          %swap3A_174 = tpu.vector_load %arg9[%swap3A_173] {strides = array<i32>} : memref<2048xf32, #tpu.memory_space<vmem>>, vector<16xf32>,
          tpu.vector_store %arg9[%swap3A_173], %get3A_172 {strides = array<i32>} : memref<2048xf32, #tpu.memory_space<vmem>>, vector<16xf32>,
          %mul3A_175 = arith.constant 128 : i32
          %mul3A_176 = arith.muli %squeeze3A_127, %mul3A_175 : i32
          %add3A_177 = arith.constant 32 : i32
          %add3A_178 = arith.addi %mul3A_176, %add3A_177 : i32
          %get3A_179 = arith.index_cast %add3A_178 : i32 to index
          %get3A_180 = tpu.vector_load %arg10[%get3A_179] {strides = array<i32>} : memref<8192xf32, #tpu.memory_space<vmem>>, vector<16xf32>,
          %swap3A_181 = arith.constant 1568 : index
          %swap3A_182 = tpu.vector_load %arg9[%swap3A_181] {strides = array<i32>} : memref<2048xf32, #tpu.memory_space<vmem>>, vector<16xf32>,
          tpu.vector_store %arg9[%swap3A_181], %get3A_180 {strides = array<i32>} : memref<2048xf32, #tpu.memory_space<vmem>>, vector<16xf32>,
          %mul3A_183 = arith.constant 128 : i32
          %mul3A_184 = arith.muli %squeeze3A_127, %mul3A_183 : i32
          %add3A_185 = arith.constant 48 : i32
          %add3A_186 = arith.addi %mul3A_184, %add3A_185 : i32
          %get3A_187 = arith.index_cast %add3A_186 : i32 to index
          %get3A_188 = tpu.vector_load %arg10[%get3A_187] {strides = array<i32>} : memref<8192xf32, #tpu.memory_space<vmem>>, vector<16xf32>,
          %swap3A_189 = arith.constant 1584 : index
          %swap3A_190 = tpu.vector_load %arg9[%swap3A_189] {strides = array<i32>} : memref<2048xf32, #tpu.memory_space<vmem>>, vector<16xf32>,
          tpu.vector_store %arg9[%swap3A_189], %get3A_188 {strides = array<i32>} : memref<2048xf32, #tpu.memory_space<vmem>>, vector<16xf32>,
          %mul3A_191 = arith.constant 128 : i32
          %mul3A_192 = arith.muli %squeeze3A_127, %mul3A_191 : i32
          %add3A_193 = arith.constant 64 : i32
          %add3A_194 = arith.addi %mul3A_192, %add3A_193 : i32
          %get3A_195 = arith.index_cast %add3A_194 : i32 to index
          %get3A_196 = tpu.vector_load %arg10[%get3A_195] {strides = array<i32>} : memref<8192xf32, #tpu.memory_space<vmem>>, vector<16xf32>,
          %swap3A_197 = arith.constant 1600 : index
          %swap3A_198 = tpu.vector_load %arg9[%swap3A_197] {strides = array<i32>} : memref<2048xf32, #tpu.memory_space<vmem>>, vector<16xf32>,
          tpu.vector_store %arg9[%swap3A_197], %get3A_196 {strides = array<i32>} : memref<2048xf32, #tpu.memory_space<vmem>>, vector<16xf32>,
          %mul3A_199 = arith.constant 128 : i32
          %mul3A_200 = arith.muli %squeeze3A_127, %mul3A_199 : i32
          %add3A_201 = arith.constant 80 : i32
          %add3A_202 = arith.addi %mul3A_200, %add3A_201 : i32
          %get3A_203 = arith.index_cast %add3A_202 : i32 to index
          %get3A_204 = tpu.vector_load %arg10[%get3A_203] {strides = array<i32>} : memref<8192xf32, #tpu.memory_space<vmem>>, vector<16xf32>,
          %swap3A_205 = arith.constant 1616 : index
          %swap3A_206 = tpu.vector_load %arg9[%swap3A_205] {strides = array<i32>} : memref<2048xf32, #tpu.memory_space<vmem>>, vector<16xf32>,
          tpu.vector_store %arg9[%swap3A_205], %get3A_204 {strides = array<i32>} : memref<2048xf32, #tpu.memory_space<vmem>>, vector<16xf32>,
          %mul3A_207 = arith.constant 128 : i32
          %mul3A_208 = arith.muli %squeeze3A_127, %mul3A_207 : i32
          %add3A_209 = arith.constant 96 : i32
          %add3A_210 = arith.addi %mul3A_208, %add3A_209 : i32
          %get3A_211 = arith.index_cast %add3A_210 : i32 to index
          %get3A_212 = tpu.vector_load %arg10[%get3A_211] {strides = array<i32>} : memref<8192xf32, #tpu.memory_space<vmem>>, vector<16xf32>,
          %swap3A_213 = arith.constant 1632 : index
          %swap3A_214 = tpu.vector_load %arg9[%swap3A_213] {strides = array<i32>} : memref<2048xf32, #tpu.memory_space<vmem>>, vector<16xf32>,
          tpu.vector_store %arg9[%swap3A_213], %get3A_212 {strides = array<i32>} : memref<2048xf32, #tpu.memory_space<vmem>>, vector<16xf32>,
          %mul3A_215 = arith.constant 128 : i32
          %mul3A_216 = arith.muli %squeeze3A_127, %mul3A_215 : i32
          %add3A_217 = arith.constant 112 : i32
          %add3A_218 = arith.addi %mul3A_216, %add3A_217 : i32
          %get3A_219 = arith.index_cast %add3A_218 : i32 to index
          %get3A_220 = tpu.vector_load %arg10[%get3A_219] {strides = array<i32>} : memref<8192xf32, #tpu.memory_space<vmem>>, vector<16xf32>,
          %swap3A_221 = arith.constant 1648 : index
          %swap3A_222 = tpu.vector_load %arg9[%swap3A_221] {strides = array<i32>} : memref<2048xf32, #tpu.memory_space<vmem>>, vector<16xf32>,
          tpu.vector_store %arg9[%swap3A_221], %get3A_220 {strides = array<i32>} : memref<2048xf32, #tpu.memory_space<vmem>>, vector<16xf32>,
        } else {
        }
        %get3A_133 = arith.constant 13 : index
        %get3A_134 = tpu.vector_load %arg8[%get3A_133] {strides = array<i32>} : memref<32xi32, #tpu.memory_space<vmem>>, vector<16xi32>,
        %slice3A_135 = vector.extract_strided_slice %get3A_134 {offsets = [0], sizes = [1], strides = [1]} : vector<16xi32> to vector<1xi32>
        %squeeze3A_136 = vector.extract %slice3A_135[0] : i32 from vector<1xi32>
        %ge3A_137 = arith.constant 0 : i32
        %ge3A_138 = arith.cmpi sge, %squeeze3A_136, %ge3A_137 : i32
        %convert_element_type3A_139 = arith.extui %ge3A_138 : i1 to i32
        %cond3A_140 = arith.constant 0 : i32
        %cond3A_141 = arith.cmpi ne, %convert_element_type3A_139, %cond3A_140 : i32
        scf.if %cond3A_141 {
          %mul3A_160 = arith.constant 128 : i32
          %mul3A_161 = arith.muli %squeeze3A_136, %mul3A_160 : i32
          %add3A_162 = arith.constant 0 : i32
          %add3A_163 = arith.addi %mul3A_161, %add3A_162 : i32
          %get3A_164 = arith.index_cast %add3A_163 : i32 to index
          %get3A_165 = tpu.vector_load %arg10[%get3A_164] {strides = array<i32>} : memref<8192xf32, #tpu.memory_space<vmem>>, vector<16xf32>,
          %swap3A = arith.constant 1664 : index
          %swap3A_166 = tpu.vector_load %arg9[%swap3A] {strides = array<i32>} : memref<2048xf32, #tpu.memory_space<vmem>>, vector<16xf32>,
          tpu.vector_store %arg9[%swap3A], %get3A_165 {strides = array<i32>} : memref<2048xf32, #tpu.memory_space<vmem>>, vector<16xf32>,
          %mul3A_167 = arith.constant 128 : i32
          %mul3A_168 = arith.muli %squeeze3A_136, %mul3A_167 : i32
          %add3A_169 = arith.constant 16 : i32
          %add3A_170 = arith.addi %mul3A_168, %add3A_169 : i32
          %get3A_171 = arith.index_cast %add3A_170 : i32 to index
          %get3A_172 = tpu.vector_load %arg10[%get3A_171] {strides = array<i32>} : memref<8192xf32, #tpu.memory_space<vmem>>, vector<16xf32>,
          %swap3A_173 = arith.constant 1680 : index
          %swap3A_174 = tpu.vector_load %arg9[%swap3A_173] {strides = array<i32>} : memref<2048xf32, #tpu.memory_space<vmem>>, vector<16xf32>,
          tpu.vector_store %arg9[%swap3A_173], %get3A_172 {strides = array<i32>} : memref<2048xf32, #tpu.memory_space<vmem>>, vector<16xf32>,
          %mul3A_175 = arith.constant 128 : i32
          %mul3A_176 = arith.muli %squeeze3A_136, %mul3A_175 : i32
          %add3A_177 = arith.constant 32 : i32
          %add3A_178 = arith.addi %mul3A_176, %add3A_177 : i32
          %get3A_179 = arith.index_cast %add3A_178 : i32 to index
          %get3A_180 = tpu.vector_load %arg10[%get3A_179] {strides = array<i32>} : memref<8192xf32, #tpu.memory_space<vmem>>, vector<16xf32>,
          %swap3A_181 = arith.constant 1696 : index
          %swap3A_182 = tpu.vector_load %arg9[%swap3A_181] {strides = array<i32>} : memref<2048xf32, #tpu.memory_space<vmem>>, vector<16xf32>,
          tpu.vector_store %arg9[%swap3A_181], %get3A_180 {strides = array<i32>} : memref<2048xf32, #tpu.memory_space<vmem>>, vector<16xf32>,
          %mul3A_183 = arith.constant 128 : i32
          %mul3A_184 = arith.muli %squeeze3A_136, %mul3A_183 : i32
          %add3A_185 = arith.constant 48 : i32
          %add3A_186 = arith.addi %mul3A_184, %add3A_185 : i32
          %get3A_187 = arith.index_cast %add3A_186 : i32 to index
          %get3A_188 = tpu.vector_load %arg10[%get3A_187] {strides = array<i32>} : memref<8192xf32, #tpu.memory_space<vmem>>, vector<16xf32>,
          %swap3A_189 = arith.constant 1712 : index
          %swap3A_190 = tpu.vector_load %arg9[%swap3A_189] {strides = array<i32>} : memref<2048xf32, #tpu.memory_space<vmem>>, vector<16xf32>,
          tpu.vector_store %arg9[%swap3A_189], %get3A_188 {strides = array<i32>} : memref<2048xf32, #tpu.memory_space<vmem>>, vector<16xf32>,
          %mul3A_191 = arith.constant 128 : i32
          %mul3A_192 = arith.muli %squeeze3A_136, %mul3A_191 : i32
          %add3A_193 = arith.constant 64 : i32
          %add3A_194 = arith.addi %mul3A_192, %add3A_193 : i32
          %get3A_195 = arith.index_cast %add3A_194 : i32 to index
          %get3A_196 = tpu.vector_load %arg10[%get3A_195] {strides = array<i32>} : memref<8192xf32, #tpu.memory_space<vmem>>, vector<16xf32>,
          %swap3A_197 = arith.constant 1728 : index
          %swap3A_198 = tpu.vector_load %arg9[%swap3A_197] {strides = array<i32>} : memref<2048xf32, #tpu.memory_space<vmem>>, vector<16xf32>,
          tpu.vector_store %arg9[%swap3A_197], %get3A_196 {strides = array<i32>} : memref<2048xf32, #tpu.memory_space<vmem>>, vector<16xf32>,
          %mul3A_199 = arith.constant 128 : i32
          %mul3A_200 = arith.muli %squeeze3A_136, %mul3A_199 : i32
          %add3A_201 = arith.constant 80 : i32
          %add3A_202 = arith.addi %mul3A_200, %add3A_201 : i32
          %get3A_203 = arith.index_cast %add3A_202 : i32 to index
          %get3A_204 = tpu.vector_load %arg10[%get3A_203] {strides = array<i32>} : memref<8192xf32, #tpu.memory_space<vmem>>, vector<16xf32>,
          %swap3A_205 = arith.constant 1744 : index
          %swap3A_206 = tpu.vector_load %arg9[%swap3A_205] {strides = array<i32>} : memref<2048xf32, #tpu.memory_space<vmem>>, vector<16xf32>,
          tpu.vector_store %arg9[%swap3A_205], %get3A_204 {strides = array<i32>} : memref<2048xf32, #tpu.memory_space<vmem>>, vector<16xf32>,
          %mul3A_207 = arith.constant 128 : i32
          %mul3A_208 = arith.muli %squeeze3A_136, %mul3A_207 : i32
          %add3A_209 = arith.constant 96 : i32
          %add3A_210 = arith.addi %mul3A_208, %add3A_209 : i32
          %get3A_211 = arith.index_cast %add3A_210 : i32 to index
          %get3A_212 = tpu.vector_load %arg10[%get3A_211] {strides = array<i32>} : memref<8192xf32, #tpu.memory_space<vmem>>, vector<16xf32>,
          %swap3A_213 = arith.constant 1760 : index
          %swap3A_214 = tpu.vector_load %arg9[%swap3A_213] {strides = array<i32>} : memref<2048xf32, #tpu.memory_space<vmem>>, vector<16xf32>,
          tpu.vector_store %arg9[%swap3A_213], %get3A_212 {strides = array<i32>} : memref<2048xf32, #tpu.memory_space<vmem>>, vector<16xf32>,
          %mul3A_215 = arith.constant 128 : i32
          %mul3A_216 = arith.muli %squeeze3A_136, %mul3A_215 : i32
          %add3A_217 = arith.constant 112 : i32
          %add3A_218 = arith.addi %mul3A_216, %add3A_217 : i32
          %get3A_219 = arith.index_cast %add3A_218 : i32 to index
          %get3A_220 = tpu.vector_load %arg10[%get3A_219] {strides = array<i32>} : memref<8192xf32, #tpu.memory_space<vmem>>, vector<16xf32>,
          %swap3A_221 = arith.constant 1776 : index
          %swap3A_222 = tpu.vector_load %arg9[%swap3A_221] {strides = array<i32>} : memref<2048xf32, #tpu.memory_space<vmem>>, vector<16xf32>,
          tpu.vector_store %arg9[%swap3A_221], %get3A_220 {strides = array<i32>} : memref<2048xf32, #tpu.memory_space<vmem>>, vector<16xf32>,
        } else {
        }
        %get3A_142 = arith.constant 14 : index
        %get3A_143 = tpu.vector_load %arg8[%get3A_142] {strides = array<i32>} : memref<32xi32, #tpu.memory_space<vmem>>, vector<16xi32>,
        %slice3A_144 = vector.extract_strided_slice %get3A_143 {offsets = [0], sizes = [1], strides = [1]} : vector<16xi32> to vector<1xi32>
        %squeeze3A_145 = vector.extract %slice3A_144[0] : i32 from vector<1xi32>
        %ge3A_146 = arith.constant 0 : i32
        %ge3A_147 = arith.cmpi sge, %squeeze3A_145, %ge3A_146 : i32
        %convert_element_type3A_148 = arith.extui %ge3A_147 : i1 to i32
        %cond3A_149 = arith.constant 0 : i32
        %cond3A_150 = arith.cmpi ne, %convert_element_type3A_148, %cond3A_149 : i32
        scf.if %cond3A_150 {
          %mul3A_160 = arith.constant 128 : i32
          %mul3A_161 = arith.muli %squeeze3A_145, %mul3A_160 : i32
          %add3A_162 = arith.constant 0 : i32
          %add3A_163 = arith.addi %mul3A_161, %add3A_162 : i32
          %get3A_164 = arith.index_cast %add3A_163 : i32 to index
          %get3A_165 = tpu.vector_load %arg10[%get3A_164] {strides = array<i32>} : memref<8192xf32, #tpu.memory_space<vmem>>, vector<16xf32>,
          %swap3A = arith.constant 1792 : index
          %swap3A_166 = tpu.vector_load %arg9[%swap3A] {strides = array<i32>} : memref<2048xf32, #tpu.memory_space<vmem>>, vector<16xf32>,
          tpu.vector_store %arg9[%swap3A], %get3A_165 {strides = array<i32>} : memref<2048xf32, #tpu.memory_space<vmem>>, vector<16xf32>,
          %mul3A_167 = arith.constant 128 : i32
          %mul3A_168 = arith.muli %squeeze3A_145, %mul3A_167 : i32
          %add3A_169 = arith.constant 16 : i32
          %add3A_170 = arith.addi %mul3A_168, %add3A_169 : i32
          %get3A_171 = arith.index_cast %add3A_170 : i32 to index
          %get3A_172 = tpu.vector_load %arg10[%get3A_171] {strides = array<i32>} : memref<8192xf32, #tpu.memory_space<vmem>>, vector<16xf32>,
          %swap3A_173 = arith.constant 1808 : index
          %swap3A_174 = tpu.vector_load %arg9[%swap3A_173] {strides = array<i32>} : memref<2048xf32, #tpu.memory_space<vmem>>, vector<16xf32>,
          tpu.vector_store %arg9[%swap3A_173], %get3A_172 {strides = array<i32>} : memref<2048xf32, #tpu.memory_space<vmem>>, vector<16xf32>,
          %mul3A_175 = arith.constant 128 : i32
          %mul3A_176 = arith.muli %squeeze3A_145, %mul3A_175 : i32
          %add3A_177 = arith.constant 32 : i32
          %add3A_178 = arith.addi %mul3A_176, %add3A_177 : i32
          %get3A_179 = arith.index_cast %add3A_178 : i32 to index
          %get3A_180 = tpu.vector_load %arg10[%get3A_179] {strides = array<i32>} : memref<8192xf32, #tpu.memory_space<vmem>>, vector<16xf32>,
          %swap3A_181 = arith.constant 1824 : index
          %swap3A_182 = tpu.vector_load %arg9[%swap3A_181] {strides = array<i32>} : memref<2048xf32, #tpu.memory_space<vmem>>, vector<16xf32>,
          tpu.vector_store %arg9[%swap3A_181], %get3A_180 {strides = array<i32>} : memref<2048xf32, #tpu.memory_space<vmem>>, vector<16xf32>,
          %mul3A_183 = arith.constant 128 : i32
          %mul3A_184 = arith.muli %squeeze3A_145, %mul3A_183 : i32
          %add3A_185 = arith.constant 48 : i32
          %add3A_186 = arith.addi %mul3A_184, %add3A_185 : i32
          %get3A_187 = arith.index_cast %add3A_186 : i32 to index
          %get3A_188 = tpu.vector_load %arg10[%get3A_187] {strides = array<i32>} : memref<8192xf32, #tpu.memory_space<vmem>>, vector<16xf32>,
          %swap3A_189 = arith.constant 1840 : index
          %swap3A_190 = tpu.vector_load %arg9[%swap3A_189] {strides = array<i32>} : memref<2048xf32, #tpu.memory_space<vmem>>, vector<16xf32>,
          tpu.vector_store %arg9[%swap3A_189], %get3A_188 {strides = array<i32>} : memref<2048xf32, #tpu.memory_space<vmem>>, vector<16xf32>,
          %mul3A_191 = arith.constant 128 : i32
          %mul3A_192 = arith.muli %squeeze3A_145, %mul3A_191 : i32
          %add3A_193 = arith.constant 64 : i32
          %add3A_194 = arith.addi %mul3A_192, %add3A_193 : i32
          %get3A_195 = arith.index_cast %add3A_194 : i32 to index
          %get3A_196 = tpu.vector_load %arg10[%get3A_195] {strides = array<i32>} : memref<8192xf32, #tpu.memory_space<vmem>>, vector<16xf32>,
          %swap3A_197 = arith.constant 1856 : index
          %swap3A_198 = tpu.vector_load %arg9[%swap3A_197] {strides = array<i32>} : memref<2048xf32, #tpu.memory_space<vmem>>, vector<16xf32>,
          tpu.vector_store %arg9[%swap3A_197], %get3A_196 {strides = array<i32>} : memref<2048xf32, #tpu.memory_space<vmem>>, vector<16xf32>,
          %mul3A_199 = arith.constant 128 : i32
          %mul3A_200 = arith.muli %squeeze3A_145, %mul3A_199 : i32
          %add3A_201 = arith.constant 80 : i32
          %add3A_202 = arith.addi %mul3A_200, %add3A_201 : i32
          %get3A_203 = arith.index_cast %add3A_202 : i32 to index
          %get3A_204 = tpu.vector_load %arg10[%get3A_203] {strides = array<i32>} : memref<8192xf32, #tpu.memory_space<vmem>>, vector<16xf32>,
          %swap3A_205 = arith.constant 1872 : index
          %swap3A_206 = tpu.vector_load %arg9[%swap3A_205] {strides = array<i32>} : memref<2048xf32, #tpu.memory_space<vmem>>, vector<16xf32>,
          tpu.vector_store %arg9[%swap3A_205], %get3A_204 {strides = array<i32>} : memref<2048xf32, #tpu.memory_space<vmem>>, vector<16xf32>,
          %mul3A_207 = arith.constant 128 : i32
          %mul3A_208 = arith.muli %squeeze3A_145, %mul3A_207 : i32
          %add3A_209 = arith.constant 96 : i32
          %add3A_210 = arith.addi %mul3A_208, %add3A_209 : i32
          %get3A_211 = arith.index_cast %add3A_210 : i32 to index
          %get3A_212 = tpu.vector_load %arg10[%get3A_211] {strides = array<i32>} : memref<8192xf32, #tpu.memory_space<vmem>>, vector<16xf32>,
          %swap3A_213 = arith.constant 1888 : index
          %swap3A_214 = tpu.vector_load %arg9[%swap3A_213] {strides = array<i32>} : memref<2048xf32, #tpu.memory_space<vmem>>, vector<16xf32>,
          tpu.vector_store %arg9[%swap3A_213], %get3A_212 {strides = array<i32>} : memref<2048xf32, #tpu.memory_space<vmem>>, vector<16xf32>,
          %mul3A_215 = arith.constant 128 : i32
          %mul3A_216 = arith.muli %squeeze3A_145, %mul3A_215 : i32
          %add3A_217 = arith.constant 112 : i32
          %add3A_218 = arith.addi %mul3A_216, %add3A_217 : i32
          %get3A_219 = arith.index_cast %add3A_218 : i32 to index
          %get3A_220 = tpu.vector_load %arg10[%get3A_219] {strides = array<i32>} : memref<8192xf32, #tpu.memory_space<vmem>>, vector<16xf32>,
          %swap3A_221 = arith.constant 1904 : index
          %swap3A_222 = tpu.vector_load %arg9[%swap3A_221] {strides = array<i32>} : memref<2048xf32, #tpu.memory_space<vmem>>, vector<16xf32>,
          tpu.vector_store %arg9[%swap3A_221], %get3A_220 {strides = array<i32>} : memref<2048xf32, #tpu.memory_space<vmem>>, vector<16xf32>,
        } else {
        }
        %get3A_151 = arith.constant 15 : index
        %get3A_152 = tpu.vector_load %arg8[%get3A_151] {strides = array<i32>} : memref<32xi32, #tpu.memory_space<vmem>>, vector<16xi32>,
        %slice3A_153 = vector.extract_strided_slice %get3A_152 {offsets = [0], sizes = [1], strides = [1]} : vector<16xi32> to vector<1xi32>
        %squeeze3A_154 = vector.extract %slice3A_153[0] : i32 from vector<1xi32>
        %ge3A_155 = arith.constant 0 : i32
        %ge3A_156 = arith.cmpi sge, %squeeze3A_154, %ge3A_155 : i32
        %convert_element_type3A_157 = arith.extui %ge3A_156 : i1 to i32
        %cond3A_158 = arith.constant 0 : i32
        %cond3A_159 = arith.cmpi ne, %convert_element_type3A_157, %cond3A_158 : i32
        scf.if %cond3A_159 {
          %mul3A_160 = arith.constant 128 : i32
          %mul3A_161 = arith.muli %squeeze3A_154, %mul3A_160 : i32
          %add3A_162 = arith.constant 0 : i32
          %add3A_163 = arith.addi %mul3A_161, %add3A_162 : i32
          %get3A_164 = arith.index_cast %add3A_163 : i32 to index
          %get3A_165 = tpu.vector_load %arg10[%get3A_164] {strides = array<i32>} : memref<8192xf32, #tpu.memory_space<vmem>>, vector<16xf32>,
          %swap3A = arith.constant 1920 : index
          %swap3A_166 = tpu.vector_load %arg9[%swap3A] {strides = array<i32>} : memref<2048xf32, #tpu.memory_space<vmem>>, vector<16xf32>,
          tpu.vector_store %arg9[%swap3A], %get3A_165 {strides = array<i32>} : memref<2048xf32, #tpu.memory_space<vmem>>, vector<16xf32>,
          %mul3A_167 = arith.constant 128 : i32
          %mul3A_168 = arith.muli %squeeze3A_154, %mul3A_167 : i32
          %add3A_169 = arith.constant 16 : i32
          %add3A_170 = arith.addi %mul3A_168, %add3A_169 : i32
          %get3A_171 = arith.index_cast %add3A_170 : i32 to index
          %get3A_172 = tpu.vector_load %arg10[%get3A_171] {strides = array<i32>} : memref<8192xf32, #tpu.memory_space<vmem>>, vector<16xf32>,
          %swap3A_173 = arith.constant 1936 : index
          %swap3A_174 = tpu.vector_load %arg9[%swap3A_173] {strides = array<i32>} : memref<2048xf32, #tpu.memory_space<vmem>>, vector<16xf32>,
          tpu.vector_store %arg9[%swap3A_173], %get3A_172 {strides = array<i32>} : memref<2048xf32, #tpu.memory_space<vmem>>, vector<16xf32>,
          %mul3A_175 = arith.constant 128 : i32
          %mul3A_176 = arith.muli %squeeze3A_154, %mul3A_175 : i32
          %add3A_177 = arith.constant 32 : i32
          %add3A_178 = arith.addi %mul3A_176, %add3A_177 : i32
          %get3A_179 = arith.index_cast %add3A_178 : i32 to index
          %get3A_180 = tpu.vector_load %arg10[%get3A_179] {strides = array<i32>} : memref<8192xf32, #tpu.memory_space<vmem>>, vector<16xf32>,
          %swap3A_181 = arith.constant 1952 : index
          %swap3A_182 = tpu.vector_load %arg9[%swap3A_181] {strides = array<i32>} : memref<2048xf32, #tpu.memory_space<vmem>>, vector<16xf32>,
          tpu.vector_store %arg9[%swap3A_181], %get3A_180 {strides = array<i32>} : memref<2048xf32, #tpu.memory_space<vmem>>, vector<16xf32>,
          %mul3A_183 = arith.constant 128 : i32
          %mul3A_184 = arith.muli %squeeze3A_154, %mul3A_183 : i32
          %add3A_185 = arith.constant 48 : i32
          %add3A_186 = arith.addi %mul3A_184, %add3A_185 : i32
          %get3A_187 = arith.index_cast %add3A_186 : i32 to index
          %get3A_188 = tpu.vector_load %arg10[%get3A_187] {strides = array<i32>} : memref<8192xf32, #tpu.memory_space<vmem>>, vector<16xf32>,
          %swap3A_189 = arith.constant 1968 : index
          %swap3A_190 = tpu.vector_load %arg9[%swap3A_189] {strides = array<i32>} : memref<2048xf32, #tpu.memory_space<vmem>>, vector<16xf32>,
          tpu.vector_store %arg9[%swap3A_189], %get3A_188 {strides = array<i32>} : memref<2048xf32, #tpu.memory_space<vmem>>, vector<16xf32>,
          %mul3A_191 = arith.constant 128 : i32
          %mul3A_192 = arith.muli %squeeze3A_154, %mul3A_191 : i32
          %add3A_193 = arith.constant 64 : i32
          %add3A_194 = arith.addi %mul3A_192, %add3A_193 : i32
          %get3A_195 = arith.index_cast %add3A_194 : i32 to index
          %get3A_196 = tpu.vector_load %arg10[%get3A_195] {strides = array<i32>} : memref<8192xf32, #tpu.memory_space<vmem>>, vector<16xf32>,
          %swap3A_197 = arith.constant 1984 : index
          %swap3A_198 = tpu.vector_load %arg9[%swap3A_197] {strides = array<i32>} : memref<2048xf32, #tpu.memory_space<vmem>>, vector<16xf32>,
          tpu.vector_store %arg9[%swap3A_197], %get3A_196 {strides = array<i32>} : memref<2048xf32, #tpu.memory_space<vmem>>, vector<16xf32>,
          %mul3A_199 = arith.constant 128 : i32
          %mul3A_200 = arith.muli %squeeze3A_154, %mul3A_199 : i32
          %add3A_201 = arith.constant 80 : i32
          %add3A_202 = arith.addi %mul3A_200, %add3A_201 : i32
          %get3A_203 = arith.index_cast %add3A_202 : i32 to index
          %get3A_204 = tpu.vector_load %arg10[%get3A_203] {strides = array<i32>} : memref<8192xf32, #tpu.memory_space<vmem>>, vector<16xf32>,
          %swap3A_205 = arith.constant 2000 : index
          %swap3A_206 = tpu.vector_load %arg9[%swap3A_205] {strides = array<i32>} : memref<2048xf32, #tpu.memory_space<vmem>>, vector<16xf32>,
          tpu.vector_store %arg9[%swap3A_205], %get3A_204 {strides = array<i32>} : memref<2048xf32, #tpu.memory_space<vmem>>, vector<16xf32>,
          %mul3A_207 = arith.constant 128 : i32
          %mul3A_208 = arith.muli %squeeze3A_154, %mul3A_207 : i32
          %add3A_209 = arith.constant 96 : i32
          %add3A_210 = arith.addi %mul3A_208, %add3A_209 : i32
          %get3A_211 = arith.index_cast %add3A_210 : i32 to index
          %get3A_212 = tpu.vector_load %arg10[%get3A_211] {strides = array<i32>} : memref<8192xf32, #tpu.memory_space<vmem>>, vector<16xf32>,
          %swap3A_213 = arith.constant 2016 : index
          %swap3A_214 = tpu.vector_load %arg9[%swap3A_213] {strides = array<i32>} : memref<2048xf32, #tpu.memory_space<vmem>>, vector<16xf32>,
          tpu.vector_store %arg9[%swap3A_213], %get3A_212 {strides = array<i32>} : memref<2048xf32, #tpu.memory_space<vmem>>, vector<16xf32>,
          %mul3A_215 = arith.constant 128 : i32
          %mul3A_216 = arith.muli %squeeze3A_154, %mul3A_215 : i32
          %add3A_217 = arith.constant 112 : i32
          %add3A_218 = arith.addi %mul3A_216, %add3A_217 : i32
          %get3A_219 = arith.index_cast %add3A_218 : i32 to index
          %get3A_220 = tpu.vector_load %arg10[%get3A_219] {strides = array<i32>} : memref<8192xf32, #tpu.memory_space<vmem>>, vector<16xf32>,
          %swap3A_221 = arith.constant 2032 : index
          %swap3A_222 = tpu.vector_load %arg9[%swap3A_221] {strides = array<i32>} : memref<2048xf32, #tpu.memory_space<vmem>>, vector<16xf32>,
          tpu.vector_store %arg9[%swap3A_221], %get3A_220 {strides = array<i32>} : memref<2048xf32, #tpu.memory_space<vmem>>, vector<16xf32>,
        } else {
        }
        "tpu.region"() ({
          %run_scoped3A = tpu.sem_alloc : memref<!tpu.dma_semaphore, #tpu.memory_space<semaphore_mem>>
          %dma_start3A = tpu.memref_slice %arg5[%mul3A_14] : memref<2097152xf32, #tpu.memory_space<hbm>> -> memref<2048xf32, #tpu.memory_space<hbm>>
          %dma_start3A_160 = tpu.memref_slice %arg5[%mul3A_14] : memref<2097152xf32, #tpu.memory_space<hbm>> -> memref<2048xf32, #tpu.memory_space<hbm>>
          tpu.enqueue_dma source(%arg9 : memref<2048xf32, #tpu.memory_space<vmem>>) target(%dma_start3A_160 : memref<2048xf32, #tpu.memory_space<hbm>>) target_semaphore(%run_scoped3A : memref<!tpu.dma_semaphore, #tpu.memory_space<semaphore_mem>>)
          %dma_wait3A = tpu.memref_slice %arg5[%mul3A_14] : memref<2097152xf32, #tpu.memory_space<hbm>> -> memref<2048xf32, #tpu.memory_space<hbm>>
          %dma_wait3A_161 = tpu.memref_slice %arg5[%mul3A_14] : memref<2097152xf32, #tpu.memory_space<hbm>> -> memref<2048xf32, #tpu.memory_space<hbm>>
          tpu.wait_dma2 semaphore(%run_scoped3A : memref<!tpu.dma_semaphore, #tpu.memory_space<semaphore_mem>>) src(%arg9 : memref<2048xf32, #tpu.memory_space<vmem>>) dst(%dma_wait3A_161 : memref<2048xf32, #tpu.memory_space<hbm>>)
          tpu.yield
        }) : () -> ()
      } else {
      }
    }
    %scan3A_5 = arith.constant 32 : i32
    return
  }
}

module attributes {stable_mosaic.version = 14 : i64} {
  func.func @_tc_body(%arg0: i32, %arg1: memref<2048x128xf32, #tpu.memory_space<vmem>>, %arg2: memref<64x128xf32, #tpu.memory_space<vmem>>, %arg3: memref<128x64xf32, #tpu.memory_space<vmem>>, %arg4: memref<128x4xf32, #tpu.memory_space<vmem>>, %arg5: memref<1x4xf32, #tpu.memory_space<vmem>>, %arg6: memref<4x128xf32, #tpu.memory_space<vmem>>, %arg7: memref<1x128xf32, #tpu.memory_space<vmem>>, %arg8: memref<2048x128xf32, #tpu.memory_space<vmem>>, %arg9: memref<2048x1xi32, #tpu.memory_space<vmem>>, %arg10: memref<128x1xi32, #tpu.memory_space<vmem>>, %arg11: memref<2048x1xf32, #tpu.memory_space<vmem>>, %arg12: memref<2048x1xf32, #tpu.memory_space<vmem>>) attributes {dimension_semantics = [#tpu.dimension_semantics<arbitrary>], iteration_bounds = array<i64: 8>, scalar_prefetch = 0 : i64, scratch_operands = 2 : i64, tpu.core_type = #tpu.core_type<tc>, window_params = [{transform_indices = @transform_0, window_bounds = array<i64: 2048, 128>}, {pipeline_mode = #tpu.pipeline_mode<synchronous>, transform_indices = @transform_1, window_bounds = array<i64: 64, 128>}, {pipeline_mode = #tpu.pipeline_mode<synchronous>, transform_indices = @transform_2, window_bounds = array<i64: 128, 64>}, {pipeline_mode = #tpu.pipeline_mode<synchronous>, transform_indices = @transform_3, window_bounds = array<i64: 128, 4>}, {pipeline_mode = #tpu.pipeline_mode<synchronous>, transform_indices = @transform_4, window_bounds = array<i64: 1, 4>}, {pipeline_mode = #tpu.pipeline_mode<synchronous>, transform_indices = @transform_5, window_bounds = array<i64: 4, 128>}, {pipeline_mode = #tpu.pipeline_mode<synchronous>, transform_indices = @transform_6, window_bounds = array<i64: 1, 128>}, {transform_indices = @transform_7, window_bounds = array<i64: 2048, 128>}, {transform_indices = @transform_8, window_bounds = array<i64: 2048, 1>}, {transform_indices = @transform_9, window_bounds = array<i64: 128, 1>}]} {
    %get3A = arith.constant 0 : index
    %get3A_0 = arith.constant 0 : index
    %get3A_1 = vector.load %arg1[%get3A, %get3A_0] : memref<2048x128xf32, #tpu.memory_space<vmem>>, vector<2048x128xf32>
    %get3A_2 = arith.constant 0 : index
    %get3A_3 = arith.constant 0 : index
    %get3A_4 = vector.load %arg2[%get3A_2, %get3A_3] : memref<64x128xf32, #tpu.memory_space<vmem>>, vector<64x128xf32>
    %get3A_5 = arith.constant 0 : index
    %get3A_6 = arith.constant 0 : index
    %get3A_7 = vector.load %arg4[%get3A_5, %get3A_6] : memref<128x4xf32, #tpu.memory_space<vmem>>, vector<128x4xf32>
    %dot_general3A = arith.constant dense<0.000000e+00> : vector<2048x4xf32>
    %dot_general3A_8 = tpu.matmul %get3A_1, %get3A_7, %dot_general3A {dimension_numbers = #tpu.dot_dimension_numbers<[1], [0], [0], [1], [0, 0, 1, 1], [], []>, transpose_lhs_hint = false} : vector<2048x128xf32>, vector<128x4xf32>, vector<2048x4xf32> -> vector<2048x4xf32>
    %get3A_9 = arith.constant 0 : index
    %get3A_10 = arith.constant 0 : index
    %get3A_11 = vector.load %arg5[%get3A_9, %get3A_10] : memref<1x4xf32, #tpu.memory_space<vmem>>, vector<1x4xf32>
    %add3A = vector.broadcast %get3A_11 : vector<1x4xf32> to vector<2048x4xf32>
    %add3A_12 = arith.addf %dot_general3A_8, %add3A : vector<2048x4xf32>
    %max3A = arith.constant 0.000000e+00 : f32
    %max3A_13 = vector.broadcast %max3A : f32 to vector<2048x4xf32>
    %max3A_14 = arith.maximumf %add3A_12, %max3A_13 : vector<2048x4xf32>
    %get3A_15 = arith.constant 0 : index
    %get3A_16 = arith.constant 0 : index
    %get3A_17 = vector.load %arg6[%get3A_15, %get3A_16] : memref<4x128xf32, #tpu.memory_space<vmem>>, vector<4x128xf32>
    %dot_general3A_18 = arith.constant dense<0.000000e+00> : vector<2048x128xf32>
    %dot_general3A_19 = tpu.matmul %max3A_14, %get3A_17, %dot_general3A_18 {dimension_numbers = #tpu.dot_dimension_numbers<[1], [0], [0], [1], [0, 0, 1, 1], [], []>, transpose_lhs_hint = false} : vector<2048x4xf32>, vector<4x128xf32>, vector<2048x128xf32> -> vector<2048x128xf32>
    %get3A_20 = arith.constant 0 : index
    %get3A_21 = arith.constant 0 : index
    %get3A_22 = vector.load %arg7[%get3A_20, %get3A_21] : memref<1x128xf32, #tpu.memory_space<vmem>>, vector<1x128xf32>
    %add3A_23 = vector.broadcast %get3A_22 : vector<1x128xf32> to vector<2048x128xf32>
    %add3A_24 = arith.addf %dot_general3A_19, %add3A_23 : vector<2048x128xf32>
    %swap3A = arith.constant 0 : index
    %swap3A_25 = arith.constant 0 : index
    %swap3A_26 = vector.load %arg8[%swap3A, %swap3A_25] : memref<2048x128xf32, #tpu.memory_space<vmem>>, vector<2048x128xf32>
    tpu.vector_store %arg8[%swap3A, %swap3A_25], %add3A_24 {strides = array<i32>} : memref<2048x128xf32, #tpu.memory_space<vmem>>, vector<2048x128xf32>,
    %eq3A = arith.constant 0.000000e+00 : f32
    %eq3A_27 = vector.broadcast %eq3A : f32 to vector<2048x128xf32>
    %eq3A_28 = arith.cmpf oeq, %get3A_1, %eq3A_27 : vector<2048x128xf32>
    %bitcast_convert_type3A = tpu.bitcast %get3A_1 : vector<2048x128xf32> -> vector<2048x128xi32>
    %jit3A = arith.constant 0 : i32
    %broadcast_in_dim3A = vector.broadcast %jit3A : i32 to vector<2048x128xi32>
    %select_n3A = arith.select %eq3A_28, %broadcast_in_dim3A, %bitcast_convert_type3A : vector<2048x128xi1>, vector<2048x128xi32>
    %reduce_sum3A = arith.constant dense<0> : vector<2048xi32>
    %reduce_sum3A_29 = vector.multi_reduction <add>, %select_n3A, %reduce_sum3A [1] : vector<2048x128xi32> to vector<2048xi32>
    %broadcast_in_dim3A_30 = vector.shape_cast %reduce_sum3A_29 : vector<2048xi32> to vector<2048x1xi32>
    %get3A_31 = arith.constant 0 : index
    %get3A_32 = arith.constant 0 : index
    %get3A_33 = vector.load %arg3[%get3A_31, %get3A_32] : memref<128x64xf32, #tpu.memory_space<vmem>>, vector<128x64xf32>
    %eq3A_34 = arith.constant 0.000000e+00 : f32
    %eq3A_35 = vector.broadcast %eq3A_34 : f32 to vector<128x64xf32>
    %eq3A_36 = arith.cmpf oeq, %get3A_33, %eq3A_35 : vector<128x64xf32>
    %bitcast_convert_type3A_37 = tpu.bitcast %get3A_33 : vector<128x64xf32> -> vector<128x64xi32>
    %jit3A_38 = arith.constant 0 : i32
    %broadcast_in_dim3A_39 = vector.broadcast %jit3A_38 : i32 to vector<128x64xi32>
    %select_n3A_40 = arith.select %eq3A_36, %broadcast_in_dim3A_39, %bitcast_convert_type3A_37 : vector<128x64xi1>, vector<128x64xi32>
    %reduce_sum3A_41 = arith.constant dense<0> : vector<64xi32>
    %reduce_sum3A_42 = vector.multi_reduction <add>, %select_n3A_40, %reduce_sum3A_41 [0] : vector<128x64xi32> to vector<64xi32>
    %broadcast_in_dim3A_43 = vector.shape_cast %reduce_sum3A_42 : vector<64xi32> to vector<1x64xi32>
    %eq3A_44 = vector.broadcast %broadcast_in_dim3A_30 : vector<2048x1xi32> to vector<2048x64xi32>
    %eq3A_45 = vector.broadcast %broadcast_in_dim3A_43 : vector<1x64xi32> to vector<2048x64xi32>
    %eq3A_46 = arith.cmpi eq, %eq3A_44, %eq3A_45 : vector<2048x64xi32>
    %broadcast_in_dim3A_47 = arith.constant -1 : i32
    %broadcast_in_dim3A_48 = vector.broadcast %broadcast_in_dim3A_47 : i32 to vector<2048x1xi32>
    %swap3A_49 = arith.constant 0 : index
    %swap3A_50 = arith.constant 0 : index
    %swap3A_51 = vector.load %arg9[%swap3A_49, %swap3A_50] : memref<2048x1xi32, #tpu.memory_space<vmem>>, vector<2048x1xi32>
    tpu.vector_store %arg9[%swap3A_49, %swap3A_50], %broadcast_in_dim3A_48 {strides = array<i32>} : memref<2048x1xi32, #tpu.memory_space<vmem>>, vector<2048x1xi32>,
    %reduce_or3A = arith.constant 1.000000e+00 : f32
    %reduce_or3A_52 = arith.constant 0.000000e+00 : f32
    %reduce_or3A_53 = vector.broadcast %reduce_or3A : f32 to vector<2048x64xf32>
    %reduce_or3A_54 = vector.broadcast %reduce_or3A_52 : f32 to vector<2048x64xf32>
    %reduce_or3A_55 = arith.select %eq3A_46, %reduce_or3A_53, %reduce_or3A_54 : vector<2048x64xi1>, vector<2048x64xf32>
    %reduce_or3A_56 = vector.shape_cast %reduce_or3A_55 : vector<2048x64xf32> to vector<1x2048x64xf32>
    %reduce_or3A_57 = arith.constant dense<0xFF800000> : vector<1xf32>
    %reduce_or3A_58 = vector.multi_reduction <maximumf>, %reduce_or3A_56, %reduce_or3A_57 [1, 2] : vector<1x2048x64xf32> to vector<1xf32>
    %reduce_or3A_59 = vector.shape_cast %reduce_or3A_58 : vector<1xf32> to vector<1x1x1xf32>
    %reduce_or3A_60 = vector.extract %reduce_or3A_59[0, 0, 0] : f32 from vector<1x1x1xf32>
    %reduce_or3A_61 = arith.constant 0.000000e+00 : f32
    %reduce_or3A_62 = arith.cmpf ogt, %reduce_or3A_60, %reduce_or3A_61 : f32
    %convert_element_type3A = arith.extui %reduce_or3A_62 : i1 to i32
    %cond3A = arith.constant 0 : i32
    %cond3A_63 = arith.cmpi ne, %convert_element_type3A, %cond3A : i32
    scf.if %cond3A_63 {
      %iota3A = tpu.iota {dimensions = array<i32: 1>} : vector<2048x64xi32>
      %jit3A_75 = arith.constant 64 : i32
      %broadcast_in_dim3A_76 = vector.broadcast %jit3A_75 : i32 to vector<2048x64xi32>
      %select_n3A_77 = arith.select %eq3A_46, %iota3A, %broadcast_in_dim3A_76 : vector<2048x64xi1>, vector<2048x64xi32>
      %reduce_min3A = arith.constant dense<2147483647> : vector<2048xi32>
      %reduce_min3A_78 = vector.multi_reduction <minsi>, %select_n3A_77, %reduce_min3A [1] : vector<2048x64xi32> to vector<2048xi32>
      %broadcast_in_dim3A_79 = vector.shape_cast %reduce_min3A_78 : vector<2048xi32> to vector<2048x1xi32>
      %eq3A_80 = vector.broadcast %broadcast_in_dim3A_79 : vector<2048x1xi32> to vector<2048x64xi32>
      %eq3A_81 = arith.cmpi eq, %iota3A, %eq3A_80 : vector<2048x64xi32>
      %and3A = arith.andi %eq3A_81, %eq3A_46 : vector<2048x64xi1>
      %reduce_or3A_82 = arith.constant 1.000000e+00 : f32
      %reduce_or3A_83 = arith.constant 0.000000e+00 : f32
      %reduce_or3A_84 = vector.broadcast %reduce_or3A_82 : f32 to vector<2048x64xf32>
      %reduce_or3A_85 = vector.broadcast %reduce_or3A_83 : f32 to vector<2048x64xf32>
      %reduce_or3A_86 = arith.select %and3A, %reduce_or3A_84, %reduce_or3A_85 : vector<2048x64xi1>, vector<2048x64xf32>
      %reduce_or3A_87 = arith.constant dense<0xFF800000> : vector<2048xf32>
      %reduce_or3A_88 = vector.multi_reduction <maximumf>, %reduce_or3A_86, %reduce_or3A_87 [1] : vector<2048x64xf32> to vector<2048xf32>
      %reduce_or3A_89 = arith.constant 0.000000e+00 : f32
      %reduce_or3A_90 = vector.broadcast %reduce_or3A_89 : f32 to vector<2048xf32>
      %reduce_or3A_91 = arith.cmpf ogt, %reduce_or3A_88, %reduce_or3A_90 : vector<2048xf32>
      %broadcast_in_dim3A_92 = vector.shape_cast %reduce_or3A_91 : vector<2048xi1> to vector<2048x1xi1>
      %convert_element_type3A_93 = arith.extui %and3A : vector<2048x64xi1> to vector<2048x64xi32>
      %convert_element_type3A_94 = arith.sitofp %convert_element_type3A_93 : vector<2048x64xi32> to vector<2048x64xf32>
      %dot_general3A_95 = arith.constant dense<0.000000e+00> : vector<2048x128xf32>
      %dot_general3A_96 = tpu.matmul %convert_element_type3A_94, %get3A_4, %dot_general3A_95 {dimension_numbers = #tpu.dot_dimension_numbers<[1], [0], [0], [1], [0, 0, 1, 1], [], []>, precision = #tpu.contract_precision<fp32>, transpose_lhs_hint = false} : vector<2048x64xf32>, vector<64x128xf32>, vector<2048x128xf32> -> vector<2048x128xf32>
      %eq3A_97 = arith.cmpf oeq, %get3A_1, %dot_general3A_96 : vector<2048x128xf32>
      %reduce_and3A = arith.constant 1.000000e+00 : f32
      %reduce_and3A_98 = arith.constant 0.000000e+00 : f32
      %reduce_and3A_99 = vector.broadcast %reduce_and3A : f32 to vector<2048x128xf32>
      %reduce_and3A_100 = vector.broadcast %reduce_and3A_98 : f32 to vector<2048x128xf32>
      %reduce_and3A_101 = arith.select %eq3A_97, %reduce_and3A_99, %reduce_and3A_100 : vector<2048x128xi1>, vector<2048x128xf32>
      %reduce_and3A_102 = arith.constant dense<0x7F800000> : vector<2048xf32>
      %reduce_and3A_103 = vector.multi_reduction <minimumf>, %reduce_and3A_101, %reduce_and3A_102 [1] : vector<2048x128xf32> to vector<2048xf32>
      %reduce_and3A_104 = arith.constant 0.000000e+00 : f32
      %reduce_and3A_105 = vector.broadcast %reduce_and3A_104 : f32 to vector<2048xf32>
      %reduce_and3A_106 = arith.cmpf ogt, %reduce_and3A_103, %reduce_and3A_105 : vector<2048xf32>
      %broadcast_in_dim3A_107 = vector.shape_cast %reduce_and3A_106 : vector<2048xi1> to vector<2048x1xi1>
      %and3A_108 = arith.andi %broadcast_in_dim3A_107, %broadcast_in_dim3A_92 : vector<2048x1xi1>
      %jit3A_109 = arith.constant -1 : i32
      %broadcast_in_dim3A_110 = vector.broadcast %jit3A_109 : i32 to vector<2048x1xi32>
      %select_n3A_111 = arith.select %and3A_108, %broadcast_in_dim3A_79, %broadcast_in_dim3A_110 : vector<2048x1xi1>, vector<2048x1xi32>
      %swap3A_112 = arith.constant 0 : index
      %swap3A_113 = arith.constant 0 : index
      %swap3A_114 = vector.load %arg9[%swap3A_112, %swap3A_113] : memref<2048x1xi32, #tpu.memory_space<vmem>>, vector<2048x1xi32>
      tpu.vector_store %arg9[%swap3A_112, %swap3A_113], %select_n3A_111 {strides = array<i32>} : memref<2048x1xi32, #tpu.memory_space<vmem>>, vector<2048x1xi32>,
      %not3A = arith.constant dense<true> : vector<2048x64xi1>
      %not3A_115 = arith.xori %and3A, %not3A : vector<2048x64xi1>
      %and3A_116 = arith.andi %eq3A_46, %not3A_115 : vector<2048x64xi1>
      %not3A_117 = arith.constant dense<true> : vector<2048x1xi1>
      %not3A_118 = arith.xori %and3A_108, %not3A_117 : vector<2048x1xi1>
      %and3A_119 = vector.broadcast %not3A_118 : vector<2048x1xi1> to vector<2048x64xi1>
      %and3A_120 = arith.andi %and3A_116, %and3A_119 : vector<2048x64xi1>
      %reduce_or3A_121 = arith.constant 1.000000e+00 : f32
      %reduce_or3A_122 = arith.constant 0.000000e+00 : f32
      %reduce_or3A_123 = vector.broadcast %reduce_or3A_121 : f32 to vector<2048x64xf32>
      %reduce_or3A_124 = vector.broadcast %reduce_or3A_122 : f32 to vector<2048x64xf32>
      %reduce_or3A_125 = arith.select %and3A_120, %reduce_or3A_123, %reduce_or3A_124 : vector<2048x64xi1>, vector<2048x64xf32>
      %reduce_or3A_126 = vector.shape_cast %reduce_or3A_125 : vector<2048x64xf32> to vector<1x2048x64xf32>
      %reduce_or3A_127 = arith.constant dense<0xFF800000> : vector<1xf32>
      %reduce_or3A_128 = vector.multi_reduction <maximumf>, %reduce_or3A_126, %reduce_or3A_127 [1, 2] : vector<1x2048x64xf32> to vector<1xf32>
      %reduce_or3A_129 = vector.shape_cast %reduce_or3A_128 : vector<1xf32> to vector<1x1x1xf32>
      %reduce_or3A_130 = vector.extract %reduce_or3A_129[0, 0, 0] : f32 from vector<1x1x1xf32>
      %reduce_or3A_131 = arith.constant 0.000000e+00 : f32
      %reduce_or3A_132 = arith.cmpf ogt, %reduce_or3A_130, %reduce_or3A_131 : f32
      %convert_element_type3A_133 = arith.extui %reduce_or3A_132 : i1 to i32
      %cond3A_134 = arith.constant 0 : i32
      %cond3A_135 = arith.cmpi ne, %convert_element_type3A_133, %cond3A_134 : i32
      scf.if %cond3A_135 {
        %broadcast_in_dim3A_136 = arith.constant 0.000000e+00 : f32
        %broadcast_in_dim3A_137 = vector.broadcast %broadcast_in_dim3A_136 : f32 to vector<2048x1xf32>
        %swap3A_138 = arith.constant 0 : index
        %swap3A_139 = arith.constant 0 : index
        %swap3A_140 = vector.load %arg11[%swap3A_138, %swap3A_139] : memref<2048x1xf32, #tpu.memory_space<vmem>>, vector<2048x1xf32>
        tpu.vector_store %arg11[%swap3A_138, %swap3A_139], %broadcast_in_dim3A_137 {strides = array<i32>} : memref<2048x1xf32, #tpu.memory_space<vmem>>, vector<2048x1xf32>,
        %broadcast_in_dim3A_141 = arith.constant 0.000000e+00 : f32
        %broadcast_in_dim3A_142 = vector.broadcast %broadcast_in_dim3A_141 : f32 to vector<2048x1xf32>
        %swap3A_143 = arith.constant 0 : index
        %swap3A_144 = arith.constant 0 : index
        %swap3A_145 = vector.load %arg12[%swap3A_143, %swap3A_144] : memref<2048x1xf32, #tpu.memory_space<vmem>>, vector<2048x1xf32>
        tpu.vector_store %arg12[%swap3A_143, %swap3A_144], %broadcast_in_dim3A_142 {strides = array<i32>} : memref<2048x1xf32, #tpu.memory_space<vmem>>, vector<2048x1xf32>,
        %broadcast_in_dim3A_146 = arith.constant 1.000000e+00 : f32
        %broadcast_in_dim3A_147 = vector.broadcast %broadcast_in_dim3A_146 : f32 to vector<128x1xf32>
        %scan3A = arith.constant 0 : i32
        %scan3A_148 = arith.constant 64 : i32
        %scan3A_149 = arith.addi %scan3A, %scan3A_148 : i32
        %scan3A_150 = arith.constant 1 : i32
        scf.for %scan3A_167 = %scan3A to %scan3A_149 step %scan3A_150  : i32 {
          %get3A_168 = arith.index_cast %scan3A_167 : i32 to index
          %get3A_169 = arith.constant 0 : index
          %get3A_170 = vector.load %arg2[%get3A_168, %get3A_169] : memref<64x128xf32, #tpu.memory_space<vmem>>, vector<1x128xf32>
          %eq3A_171 = vector.broadcast %get3A_170 : vector<1x128xf32> to vector<2048x128xf32>
          %eq3A_172 = arith.cmpf oeq, %get3A_1, %eq3A_171 : vector<2048x128xf32>
          %convert_element_type3A_173 = arith.extui %eq3A_172 : vector<2048x128xi1> to vector<2048x128xi32>
          %convert_element_type3A_174 = arith.sitofp %convert_element_type3A_173 : vector<2048x128xi32> to vector<2048x128xf32>
          %dot_general3A_175 = arith.constant dense<0.000000e+00> : vector<2048x1xf32>
          %dot_general3A_176 = tpu.matmul %convert_element_type3A_174, %broadcast_in_dim3A_147, %dot_general3A_175 {dimension_numbers = #tpu.dot_dimension_numbers<[1], [0], [0], [1], [0, 0, 1, 1], [], []>, precision = #tpu.contract_precision<fp32>, transpose_lhs_hint = false} : vector<2048x128xf32>, vector<128x1xf32>, vector<2048x1xf32> -> vector<2048x1xf32>
          %eq3A_177 = arith.constant 1.280000e+02 : f32
          %eq3A_178 = vector.broadcast %eq3A_177 : f32 to vector<2048x1xf32>
          %eq3A_179 = arith.cmpf oeq, %dot_general3A_176, %eq3A_178 : vector<2048x1xf32>
          %get3A_180 = arith.constant 0 : index
          %get3A_181 = arith.constant 0 : index
          %get3A_182 = vector.load %arg11[%get3A_180, %get3A_181] : memref<2048x1xf32, #tpu.memory_space<vmem>>, vector<2048x1xf32>
          %eq3A_183 = arith.constant 0.000000e+00 : f32
          %eq3A_184 = vector.broadcast %eq3A_183 : f32 to vector<2048x1xf32>
          %eq3A_185 = arith.cmpf oeq, %get3A_182, %eq3A_184 : vector<2048x1xf32>
          %and3A_186 = arith.andi %eq3A_179, %eq3A_185 : vector<2048x1xi1>
          %jit3A_187 = arith.constant 1.000000e+00 : f32
          %jit3A_188 = arith.constant 0.000000e+00 : f32
          %broadcast_in_dim3A_189 = vector.broadcast %jit3A_187 : f32 to vector<2048x1xf32>
          %broadcast_in_dim3A_190 = vector.broadcast %jit3A_188 : f32 to vector<2048x1xf32>
          %select_n3A_191 = arith.select %and3A_186, %broadcast_in_dim3A_189, %broadcast_in_dim3A_190 : vector<2048x1xi1>, vector<2048x1xf32>
          %get3A_192 = arith.constant 0 : index
          %get3A_193 = arith.constant 0 : index
          %get3A_194 = vector.load %arg11[%get3A_192, %get3A_193] : memref<2048x1xf32, #tpu.memory_space<vmem>>, vector<2048x1xf32>
          %add3A_195 = arith.addf %get3A_194, %select_n3A_191 : vector<2048x1xf32>
          %swap3A_196 = arith.constant 0 : index
          %swap3A_197 = arith.constant 0 : index
          %swap3A_198 = vector.load %arg11[%swap3A_196, %swap3A_197] : memref<2048x1xf32, #tpu.memory_space<vmem>>, vector<2048x1xf32>
          tpu.vector_store %arg11[%swap3A_196, %swap3A_197], %add3A_195 {strides = array<i32>} : memref<2048x1xf32, #tpu.memory_space<vmem>>, vector<2048x1xf32>,
          %get3A_199 = arith.constant 0 : index
          %get3A_200 = arith.constant 0 : index
          %get3A_201 = vector.load %arg12[%get3A_199, %get3A_200] : memref<2048x1xf32, #tpu.memory_space<vmem>>, vector<2048x1xf32>
          %convert_element_type3A_202 = arith.sitofp %scan3A_167 : i32 to f32
          %mul3A = vector.broadcast %convert_element_type3A_202 : f32 to vector<2048x1xf32>
          %mul3A_203 = arith.mulf %select_n3A_191, %mul3A : vector<2048x1xf32>
          %add3A_204 = arith.addf %get3A_201, %mul3A_203 : vector<2048x1xf32>
          %swap3A_205 = arith.constant 0 : index
          %swap3A_206 = arith.constant 0 : index
          %swap3A_207 = vector.load %arg12[%swap3A_205, %swap3A_206] : memref<2048x1xf32, #tpu.memory_space<vmem>>, vector<2048x1xf32>
          tpu.vector_store %arg12[%swap3A_205, %swap3A_206], %add3A_204 {strides = array<i32>} : memref<2048x1xf32, #tpu.memory_space<vmem>>, vector<2048x1xf32>,
        }
        %scan3A_151 = arith.constant 64 : i32
        %get3A_152 = arith.constant 0 : index
        %get3A_153 = arith.constant 0 : index
        %get3A_154 = vector.load %arg11[%get3A_152, %get3A_153] : memref<2048x1xf32, #tpu.memory_space<vmem>>, vector<2048x1xf32>
        %gt3A = arith.constant 0.000000e+00 : f32
        %gt3A_155 = vector.broadcast %gt3A : f32 to vector<2048x1xf32>
        %gt3A_156 = arith.cmpf ogt, %get3A_154, %gt3A_155 : vector<2048x1xf32>
        %get3A_157 = arith.constant 0 : index
        %get3A_158 = arith.constant 0 : index
        %get3A_159 = vector.load %arg12[%get3A_157, %get3A_158] : memref<2048x1xf32, #tpu.memory_space<vmem>>, vector<2048x1xf32>
        %convert_element_type3A_160 = arith.fptosi %get3A_159 : vector<2048x1xf32> to vector<2048x1xi32>
        %jit3A_161 = arith.constant -1 : i32
        %broadcast_in_dim3A_162 = vector.broadcast %jit3A_161 : i32 to vector<2048x1xi32>
        %select_n3A_163 = arith.select %gt3A_156, %convert_element_type3A_160, %broadcast_in_dim3A_162 : vector<2048x1xi1>, vector<2048x1xi32>
        %swap3A_164 = arith.constant 0 : index
        %swap3A_165 = arith.constant 0 : index
        %swap3A_166 = vector.load %arg9[%swap3A_164, %swap3A_165] : memref<2048x1xi32, #tpu.memory_space<vmem>>, vector<2048x1xi32>
        tpu.vector_store %arg9[%swap3A_164, %swap3A_165], %select_n3A_163 {strides = array<i32>} : memref<2048x1xi32, #tpu.memory_space<vmem>>, vector<2048x1xi32>,
      } else {
      }
    } else {
    }
    %get3A_64 = arith.constant 0 : index
    %get3A_65 = arith.constant 0 : index
    %get3A_66 = vector.load %arg9[%get3A_64, %get3A_65] : memref<2048x1xi32, #tpu.memory_space<vmem>>, vector<2048x1xi32>
    %ge3A = arith.constant 0 : i32
    %ge3A_67 = vector.broadcast %ge3A : i32 to vector<2048x1xi32>
    %ge3A_68 = arith.cmpi sge, %get3A_66, %ge3A_67 : vector<2048x1xi32>
    %convert_element_type3A_69 = arith.extui %ge3A_68 : vector<2048x1xi1> to vector<2048x1xi32>
    %reshape3A = vector.shape_cast %convert_element_type3A_69 : vector<2048x1xi32> to vector<128x16xi32>
    %reduce_max3A = arith.constant dense<-2147483648> : vector<128xi32>
    %reduce_max3A_70 = vector.multi_reduction <maxsi>, %reshape3A, %reduce_max3A [1] : vector<128x16xi32> to vector<128xi32>
    %broadcast_in_dim3A_71 = vector.shape_cast %reduce_max3A_70 : vector<128xi32> to vector<128x1xi32>
    %swap3A_72 = arith.constant 0 : index
    %swap3A_73 = arith.constant 0 : index
    %swap3A_74 = vector.load %arg10[%swap3A_72, %swap3A_73] : memref<128x1xi32, #tpu.memory_space<vmem>>, vector<128x1xi32>
    tpu.vector_store %arg10[%swap3A_72, %swap3A_73], %broadcast_in_dim3A_71 {strides = array<i32>} : memref<128x1xi32, #tpu.memory_space<vmem>>, vector<128x1xi32>,
    return
  }
  func.func @transform_0(%arg0: i32) -> (i32, i32) {
    %c0_i32 = arith.constant 0 : i32
    %c0_i32_0 = arith.constant 0 : i32
    return %arg0, %c0_i32 : i32, i32
  }
  func.func @transform_1(%arg0: i32) -> (i32, i32) {
    %c0_i32 = arith.constant 0 : i32
    %c0_i32_0 = arith.constant 0 : i32
    %c0_i32_1 = arith.constant 0 : i32
    return %c0_i32, %c0_i32_0 : i32, i32
  }
  func.func @transform_2(%arg0: i32) -> (i32, i32) {
    %c0_i32 = arith.constant 0 : i32
    %c0_i32_0 = arith.constant 0 : i32
    %c0_i32_1 = arith.constant 0 : i32
    return %c0_i32, %c0_i32_0 : i32, i32
  }
  func.func @transform_3(%arg0: i32) -> (i32, i32) {
    %c0_i32 = arith.constant 0 : i32
    %c0_i32_0 = arith.constant 0 : i32
    %c0_i32_1 = arith.constant 0 : i32
    return %c0_i32, %c0_i32_0 : i32, i32
  }
  func.func @transform_4(%arg0: i32) -> (i32, i32) {
    %c0_i32 = arith.constant 0 : i32
    %c0_i32_0 = arith.constant 0 : i32
    %c0_i32_1 = arith.constant 0 : i32
    return %c0_i32, %c0_i32_0 : i32, i32
  }
  func.func @transform_5(%arg0: i32) -> (i32, i32) {
    %c0_i32 = arith.constant 0 : i32
    %c0_i32_0 = arith.constant 0 : i32
    %c0_i32_1 = arith.constant 0 : i32
    return %c0_i32, %c0_i32_0 : i32, i32
  }
  func.func @transform_6(%arg0: i32) -> (i32, i32) {
    %c0_i32 = arith.constant 0 : i32
    %c0_i32_0 = arith.constant 0 : i32
    %c0_i32_1 = arith.constant 0 : i32
    return %c0_i32, %c0_i32_0 : i32, i32
  }
  func.func @transform_7(%arg0: i32) -> (i32, i32) {
    %c0_i32 = arith.constant 0 : i32
    %c0_i32_0 = arith.constant 0 : i32
    return %arg0, %c0_i32 : i32, i32
  }
  func.func @transform_8(%arg0: i32) -> (i32, i32) {
    %c0_i32 = arith.constant 0 : i32
    %c0_i32_0 = arith.constant 0 : i32
    return %arg0, %c0_i32 : i32, i32
  }
  func.func @transform_9(%arg0: i32) -> (i32, i32) {
    %c0_i32 = arith.constant 0 : i32
    %c0_i32_0 = arith.constant 0 : i32
    return %arg0, %c0_i32 : i32, i32
  }
}

</mosaic_0001>

<sc_bundles>
// kernel: kernel.4.cloned.1.call-start
scs
__scs_entry_jumppad:
0x0: {  	(pc) =	sbr.rel $0x88, $3  }
0x1: {  	(tag) =	ssettag $0x0;
	lr =	simm.s32 $0x1  }
0x2: {  	[smem:$0x3F9A] =	sst lr;
	_ =	strace $0xD0000000  }
0x3: {  	_ = 	snop  }
0x4: {  	_ = 	snop  }
0x5: {  	_ = 	snop  }
0x6: {  	_ = 	snop  }
0x7: {  	_ = 	snop  }
__scs_overlays_trampoline_lowered:
0x8: {  	[smem:$0x3FA9] =	sst s0  }
0x9: {  	[smem:$0x3FAA] =	sst s1  }
0xa: {  	[smem:$0x3FAB] =	sst s2  }
0xb: {  	[smem:$0x3FAC] =	sst s3  }
0xc: {  	[smem:$0x3FAD] =	sst s4  }
0xd: {  	[smem:$0x3FAE] =	sst s5  }
0xe: {  	[smem:$0x3FAF] =	sst s6  }
0xf: {  	[smem:$0x3FB0] =	sst s7  }
0x10: {  	[smem:$0x3FB1] =	sst s8  }
0x11: {  	[smem:$0x3FB2] =	sst s9;
	s0 =	simm.s32 @!p0 $0x0  }
0x12: {  	s1 =	sld [smem:$0x3F98];
	s0 =	simm.s32 @p0 $0x1  }
0x13: {  	[smem:$0x3FB3] =	sst s0;
	s0 =	simm.s32 @!p1 $0x0  }
0x14: {  	s2 =	sld [smem:$0x3F97];
	s0 =	simm.s32 @p1 $0x1  }
0x15: {  	[smem:$0x3FB4] =	sst s0;
	s0 =	simm.s32 @!p2 $0x0  }
0x16: {  	s3 =	sld [smem:$0x3FDB];
	s0 =	simm.s32 @p2 $0x1  }
0x17: {  	s4 =	simm.s32 $0x1BF5;
	[smem:$0x3FB6] =	sst s0  }
0x18: {  	s0 =	sld [smem:$0x3F99];
	_ =	swait.ge [sflag:s4], $0x0  }
0x19: {  	s7 =	sld [smem:$0x3F9A]  }
0x1a: {  	s8 =	sadd.s32 $0xFFFFE003, lr  }
0x1b: {  	s9 =	sadd.s32 $0xFFFFFEF7, lr;
	s5 =	simm.s32 $0xFFFFFFFF;
	p2 =	slt.u32 s8, $0xFFFFF086  }
0x1c: {  	p1 =	slt.u32 s9, $0xF7A;
	s5 =	simm.s32 @!p2 $0x0  }
0x1d: {  	s5 =	simm.s32 @p1 $0x1;
	p0 =	seq.s32 s7, s2  }
0x1e: {  	s7 =	smul.u32 @!p0 $0xF7A, s2;
	p2 =	seq.s32 @!p0 s5, $0x0  }
0x1f: {  	s9 =	smul.u32 $0xF7A, s1;
	s8 =	simm.s32 @!p0 $0x1BF5;
	p2 =	por !p2, p0  }
0x20: {  	[sflag:s8] =	ssyncset.s32 @!p0 $0xFFFFF086;
	s6 =	sadd.s32 @!p0 s3, s7;
	s7 =	simm.s32 @!p0 $0x108  }
0x21: {  	s3 =	sadd.s32 s3, s9;
	s6 =	sadd.s32 @!p0 $0x88, s6;
	s7 =	simm.s32 @p2 $0x1082  }
0x22: {  	[simem:s7], [sflag:s8] =	dma.local @!p0 [hbm:s6], $0xF7A  }
0x23: {  	s9 =	sor.u32 $0xD0000000, s2;
	s6 =	simm.s32 $0x108;
	_ =	swait.ge @!p0 [sflag:s8], $0x0  }
0x24: {  	s3 =	sadd.s32 $0x88, s3;
	s6 =	simm.s32 @!p1 $0x1082;
	[sflag:s4] =	ssyncset.s32 $0xFFFFF086  }
0x25: {  	[simem:s6], [sflag:s4] =	dma.local [hbm:s3], $0xF7A  }
0x26: {  	[smem:$0x3F9A] =	sst s1;
	(tag) =	ssettag s2;
	_ =	strace s9  }
0x27: {  	s1 =	sld [smem:$0x3FAA]  }
0x28: {  	s2 =	sld [smem:$0x3FAB]  }
0x29: {  	s4 =	sld [smem:$0x3FAD]  }
0x2a: {  	p0 =	seq.s32 s5, $0x0;
	s5 =	sld [smem:$0x3FAE]  }
0x2b: {  	s6 =	sld [smem:$0x3FAF]  }
0x2c: {  	s7 =	sld [smem:$0x3FB0]  }
0x2d: {  	s3 =	simm.s32 $0x108;
	s8 =	sld [smem:$0x3FB1]  }
0x2e: {  	s3 =	simm.s32 @!p0 $0x1082;
	s9 =	sld [smem:$0x3FB2]  }
0x2f: {  	lr =	sadd.s32 s0, s3;
	s0 =	sld [smem:$0x3FA9]  }
0x30: {  	s3 =	sld [smem:$0x3FAC]  }
0x31: {  	[smem:$0x3FB5] =	sst s10  }
0x32: {  	s10 =	sld [smem:$0x3FB3];
	_ =	sdelay $0x3  }
0x33: {  	p0 =	seq.s32 s10, $0x1;
	s10 =	sld [smem:$0x3FB5];
	_ =	sdelay $0x3  }
0x34: {  	[smem:$0x3FB5] =	sst s10  }
0x35: {  	s10 =	sld [smem:$0x3FB4];
	_ =	sdelay $0x3  }
0x36: {  	p1 =	seq.s32 s10, $0x1;
	s10 =	sld [smem:$0x3FB5];
	_ =	sdelay $0x3  }
0x37: {  	[smem:$0x3FB5] =	sst s10  }
0x38: {  	s10 =	sld [smem:$0x3FB6]  }
0x39: {  	_ = 	snop;
	(pc) =	sbr.ind lr, $3  }
0x3a: {  	_ = 	snop  }
0x3b: {  	_ = 	snop  }
0x3c: {  	p2 =	seq.s32 s10, $0x1;
	s10 =	sld [smem:$0x3FB5]  }
0x3d: {  	_ =	shalt  }
0x3e: {  	_ =	shalt  }
0x3f: {  	_ =	shalt  }
0x40: {  	_ =	shalt  }
0x41: {  	_ =	shalt  }
0x42: {  	_ =	shalt  }
0x43: {  	_ =	shalt  }
0x44: {  	_ =	shalt  }
0x45: {  	_ =	shalt  }
0x46: {  	_ =	shalt  }
0x47: {  	_ =	shalt  }
0x48: {  	_ =	shalt  }
0x49: {  	_ =	shalt  }
0x4a: {  	_ =	shalt  }
0x4b: {  	_ =	shalt  }
0x4c: {  	_ =	shalt  }
0x4d: {  	_ =	shalt  }
0x4e: {  	_ =	shalt  }
0x4f: {  	_ =	shalt  }
0x50: {  	_ =	shalt  }
0x51: {  	_ =	shalt  }
0x52: {  	_ =	shalt  }
0x53: {  	_ =	shalt  }
0x54: {  	_ =	shalt  }
0x55: {  	_ =	shalt  }
0x56: {  	_ =	shalt  }
0x57: {  	_ =	shalt  }
0x58: {  	_ =	shalt  }
0x59: {  	_ =	shalt  }
0x5a: {  	_ =	shalt  }
0x5b: {  	_ =	shalt  }
0x5c: {  	_ =	shalt  }
0x5d: {  	_ =	shalt  }
0x5e: {  	_ =	shalt  }
0x5f: {  	_ =	shalt  }
0x60: {  	_ =	shalt  }
0x61: {  	_ =	shalt  }
0x62: {  	_ =	shalt  }
0x63: {  	_ =	shalt  }
0x64: {  	_ =	shalt  }
0x65: {  	_ =	shalt  }
0x66: {  	_ =	shalt  }
0x67: {  	_ =	shalt  }
0x68: {  	_ =	shalt  }
0x69: {  	_ =	shalt  }
0x6a: {  	_ =	shalt  }
0x6b: {  	_ =	shalt  }
0x6c: {  	_ =	shalt  }
0x6d: {  	_ =	shalt  }
0x6e: {  	_ =	shalt  }
0x6f: {  	_ =	shalt  }
0x70: {  	_ =	shalt  }
0x71: {  	_ =	shalt  }
0x72: {  	_ =	shalt  }
0x73: {  	_ =	shalt  }
0x74: {  	_ =	shalt  }
0x75: {  	_ =	shalt  }
0x76: {  	_ =	shalt  }
0x77: {  	_ =	shalt  }
0x78: {  	_ =	shalt  }
0x79: {  	_ =	shalt  }
0x7a: {  	_ =	shalt  }
0x7b: {  	_ =	shalt  }
0x7c: {  	_ =	shalt  }
0x7d: {  	_ =	shalt  }
0x7e: {  	_ =	shalt  }
0x7f: {  	_ =	shalt  }
0x80: {  	_ =	shalt  }
0x81: {  	_ =	shalt  }
0x82: {  	_ =	shalt  }
0x83: {  	_ =	shalt  }
0x84: {  	_ =	shalt  }
0x85: {  	_ =	shalt  }
0x86: {  	_ =	shalt  }
0x87: {  	_ =	shalt  }
.Lfunc_end0:
.L_simem_size_0:
called_computation_lowered:
.L_overlay_start_0:
0x88: {  	s2 =	sld [smem:$0x3FD9]  }
0x89: {  	s3 =	sld [smem:$0x3FFE];
	_ =	sdelay $0x1  }
0x8a: {  	s1 =	srdreg.scid  }
0x8b: {  	s0 =	sand.u32 $0x1, s1  }
0x8c: {  	s17 =	sshll.u32 s0, $0xA;
	s2 =	sadd.s32 s3, s2  }
0x8d: {  	s2 =	sadd.s32 s2, s17  }
0x8e: {  	[smem:$0x3FC1] =	sst s2  }
0x8f: {  	_ = 	snop  }
0x90: {  	s2 =	sld [smem:$0x3FC7]  }
0x91: {  	s18 =	sld [smem:$0x3FD0];
	(tm) =	ssettm $0x1  }
0x92: {  	s4 =	sld [smem:$0x3FFB];
	_ =	sdelay $0x3  }
0x93: {  	_ =	strace s4  }
0x94: {  	s4 =	sld [smem:$0x3FFC];
	_ =	sdelay $0x3  }
0x95: {  	_ =	strace s4  }
0x96: {  	s4 =	sld [smem:$0x3FFD];
	_ =	sdelay $0x3  }
0x97: {  	_ =	strace s4  }
0x98: {  	_ =	strace $0x8FFFFFFF  }
0x99: {  	s19 =	sld [smem:$0x3FDB];
	_ =	sdelay $0x1  }
0x9a: {  	s5 =	simm.s32 $_scs_section_size  }
0x9b: {  	s6 =	simm.s32 $_size__tile_overlayer_lowered;
	s7 =	simm.s32 $_tile_overlayer_lowered  }
0x9c: {  	s22 =	simm.s32 $0x1BFF;
	s21 =	sshll.u32 s7, $0x1;
	s4 =	sadd.s32 s5, s19  }
0x9d: {  	s8 =	simm.s32 $0x0;
	s20 =	sshll.u32 s6, $0x1;
	s6 =	sadd.s32 s21, s4  }
0x9e: {  	[timem:s8], [sflag:s22] =	dma.local [hbm:s6], s20  }
0x9f: {  	_ =	swait.ge [sflag:s22], s20  }
0xa0: {  	s5 =	ssub.s32 $0x0, s20;
	[sflag:s22] =	ssyncset.done $0x0  }
0xa1: {  	[sflag:s22] =	ssyncadd.s32 s5;
	_ =	sdelay $0x1  }
0xa2: {  	s23 =	simm.s32 $0x1B8B  }
0xa3: {  	_ =	swait.ge [sflag:s23], $0x1  }
0xa4: {  	[sflag:s23] =	ssyncset.done $0x0  }
0xa5: {  	s25 =	simm.s32 $0x1B8E;
	s24 =	sld [smem:$0x3FFE];
	[sflag:s23] =	ssyncadd.s32 $0xFFFFFFFF  }
0xa6: {  	s26 =	simm.s32 $execute0_lowered;
	[smem:$0x3FD2] =	sst s25  }
0xa7: {  	s6 =	sshll.u32 s26, $0x1;
	_ =	strace $0x80000046;
	[dreg:$0x1] =	wrdreg $0xFFFFFFFF  }
0xa8: {  	s28 =	simm.s32 $_size_execute0_lowered;
	s4 =	sadd.s32 s4, s6;
	[dreg:$0x0] =	wrdreg $0x0  }
0xa9: {  	s6 =	sshll.u32 s28, $0x1;
	[dreg:$0x2] =	wrdreg s4  }
0xaa: {  	[dreg:$0x3] =	wrdreg s6  }
0xab: {  	[dreg:$0x4] =	wrdreg $0xC0  }
0xac: {  	_ =	task [dreg:s8], $0x5FFFF  }
0xad: {  	[dreg:$0x1] =	wrdreg $0xFFFFFFFF  }
0xae: {  	[dreg:$0x0] =	wrdreg $0x60  }
0xaf: {  	[dreg:$0x2] =	wrdreg s24  }
0xb0: {  	[dreg:$0x3] =	wrdreg s2  }
0xb1: {  	[dreg:$0x4] =	wrdreg s18  }
0xb2: {  	[dreg:$0x5] =	wrdreg $0x9  }
0xb3: {  	_ =	task.clear_ibuf [dreg:s8], $0x6FFFF;
	_ =	strace $0x90000046  }
0xb4: {  	s29 =	simm.s32 $0x9;
	_ =	strace $0x80000048  }
0xb5: {  	_ =	swait.ge [sflag:s29], $0x1  }
0xb6: {  	[sflag:s29] =	ssyncadd.s32 $0xFFFFFFFF  }
0xb7: {  	_ =	strace $0x90000048  }
0xb8: {  	_ =	sfence  }
0xb9: {  	s30 =	sld [smem:$0x0];
	_ =	sdelay $0x2  }
0xba: {  	s31 =	sshll.u32 s1, $0xD;
	s1 =	sshrl.u32 s1, $0x2  }
0xbb: {  	s3 =	sand.u32 $0x4000, s31;
	s1 =	sadd.s32 s1, s30  }
0xbc: {  	s0 =	sor.u32 s3, s0;
	s1 =	sshll.u32 s1, $0x11  }
0xbd: {  	s0 =	sor.u32 s1, s0  }
0xbe: {  	s0 =	sadd.s32 $0x8F2B, s0  }
0xbf: {  	[sflag:s0] =	ssyncadd.remote.s32 $0x1  }
0xc0: {  	_ =	sfence.sel $0xFFFF  }
0xc1: {  	[dreg:$0x0] =	wrdreg $0xFFFFFFFF;
	(pc) =	sbr.abs _section_cstart, $3  }
0xc2: {  	[dreg:$0x1] =	wrdreg $0xFFFFFFFF  }
0xc3: {  	_ =	task.clear_ibuf [dreg:s8], $0x2FFFF;
	_ =	strace $0x9FFFFFFF  }
0xc4: {  	(tm) =	ssettm $0x7FFFFFFF  }
0xc5: {  	_ =	shalt  }
tec
execute0_lowered:
.L_overlay_start_1:
0x0: {  	(tag) =	ssettag $0x1  }
0x1: {  	s4 =	rddreg [dreg:$0x0]  }
0x2: {  	s1 =	rddreg [dreg:$0x1]  }
0x3: {  	s6 =	rddreg [dreg:$0x2]  }
0x4: {  	s2 =	srdreg.scid;
	s0 =	rddreg [dreg:$0x3]  }
0x5: {  	s3 =	simm.s32 $0x0;
	s12 =	simm.s32 $0xD00;
	s7 =	sand.u32 $0x1, s2  }
0x6: {  	[smem:$0x7FF] =	sst s3;
	s2 =	stileid.u32;
	s5 =	ssub.s32 $0x2, s7  }
0x7: {  	_ =	strace $0x80000047;
	s8 =	sshll.u32 s2, $0x2;
	s30 =	sshll.u32 s7, $0x1  }
0x8: {  	s31 =	sshll.u32 s2, $0x9;
	s10 =	sshll.u32 s2, $0x3;
	s11 =	sshll.u32 s7, $0x2  }
0x9: {  	s7 =	sshll.u32 s7, $0x8;
	s9 =	sshrl.u32 s5, $0x1;
	s8 =	sadd.s32 s8, s4  }
.Ltmp0:
0xa: {  	s4 =	sadd.s32 $0xE00, s4;
	s10 =	sor.u32 s11, s10;
	(pc) =	sbr.rel .LBB2_1-.Ltmp0, $4  }
0xb: {  	s11 =	simm.s32 $0x480;
	s5 =	ssub.s32 s5, s9;
	s8 =	sadd.s32 s30, s8  }
0xc: {  	s9 =	sadd.s32 s31, s6;
	s13 =	sshrl.u32 s10, $0x2;
	s10 =	simm.s32 $0x2  }
0xd: {  	s5 =	smax.u32 s5, $0x1;
	s6 =	sadd.s32 $0x600, s8;
	s7 =	sadd.s32 s7, s9  }
0xe: {  	s8 =	simm.s32 $0x1;
	s9 =	simm.s32 $0x500;
	v0 =	vmov s13;
	s13 =	simm.s32 $0x0  }
.LBB2_5:
0xf: {  	s13 =	sadd.s32 $0x1, s13  }
0x10: {  	p0 =	sne.s32 s13, s5  }
.Ltmp1:
0x11: {  	_ = 	snop;
	(pc) =	sbr.rel @!p0 .LBB2_6-.Ltmp1, $1  }
0x12: {  	_ =	sdelay $0x3  }
.LBB2_1:
.Ltmp2:
0x13: {  	(pc) =	sbr.rel .LBB2_2-.Ltmp2, $4  }
0x14: {  	[tilespmem:s3], [sflag:$0x1] =	stream.linear.gather [hbm4b:s4+s3], $0x400, $0x38;
	[tilespmem:$0x2D00] =	vst v63  }
0x15: {  	_ =	swait.ge [sflag:s8], $0x400  }
0x16: {  	s14 =	smov.u32 s7;
	[sflag:s8] =	ssyncset.done $0x0  }
0x17: {  	s15 =	smov.u32 s6;
	s16 =	simm.s32 $0x0;
	[sflag:s8] =	ssyncadd.s32 $0xFFFFFC00  }
.LBB2_4:
0x18: {  	s16 =	sadd.s32 $0x80, s16  }
0x19: {  	p0 =	sne.s32 s16, $0x1000  }
.Ltmp3:
0x1a: {  	_ = 	snop;
	(pc) =	sbr.rel @!p0 .LBB2_5-.Ltmp3, $2  }
0x1b: {  	_ =	sdelay $0x2  }
0x1c: {  	s15 =	sadd.s32 $0x40, s15;
	s14 =	sadd.s32 $0x2000, s14  }
.LBB2_2:
0x1d: {  	_ =	sdelay $0x2  }
0x1e: {  	s17 =	sshra.s32 s16, $0x2  }
0x1f: {  	v1 =	vld.idx.msk [tilespmem:v0+s17+$0x0 ss:$0x1], $0xffff;
	_ =	sdelay $0x4  }
0x20: {  	(v2sf) =	vpush v1, $0x0;
	_ =	sdelay $0xe  }
0x21: {  	s31 =	spop (v2sf)  }
0x22: {  	p0 =	slt.s32 s31, $0x1  }
.Ltmp4:
0x23: {  	_ = 	snop;
	(pc) =	sbr.rel @p0 .LBB2_4-.Ltmp4, $1  }
0x24: {  	_ =	sdelay $0x3  }
0x25: {  	[tilespmem:s9], [sflag:$0x2] =	stream.linear.gather [hbm4b:s14+s3], $0x800, $0x38;
	[tilespmem:$0x2D00] =	vst v63  }
0x26: {  	_ =	swait.ge [sflag:s10], $0x800  }
0x27: {  	[sflag:s10] =	ssyncset.done $0x0  }
0x28: {  	[sflag:s10] =	ssyncadd.s32 $0xFFFFF800  }
0x29: {  	[tilespmem:s11], [sflag:$0x2] =	stream.linear.gather [hbm4b:s15+s3], $0x10, $0x38;
	[tilespmem:$0x2D00] =	vst v63  }
0x2a: {  	_ =	swait.ge [sflag:s10], $0x10  }
0x2b: {  	[sflag:s10] =	ssyncset.done $0x0  }
0x2c: {  	[sflag:s10] =	ssyncadd.s32 $0xFFFFFFF0  }
0x2d: {  	[tilespmem:s12], [sflag:$0x2] =	stream.linear.gather [hbm4b:s1+s3], $0x2000, $0x38;
	[tilespmem:$0x2D00] =	vst v63  }
0x2e: {  	_ =	swait.ge [sflag:s10], $0x2000  }
0x2f: {  	[sflag:s10] =	ssyncset.done $0x0  }
0x30: {  	[sflag:s10] =	ssyncadd.s32 $0xFFFFE000  }
0x31: {  	v1 =	vld [tilespmem:$0x480];
	_ =	sdelay $0x4  }
0x32: {  	(v2sf) =	vpush v1, $0x0;
	_ =	sdelay $0xe  }
0x33: {  	s17 =	spop (v2sf)  }
0x34: {  	p1 =	slt.s32 s17, $0x0  }
0x35: {  	s17 =	sshll.u32 @!p1 s17, $0x9  }
0x36: {  	s17 =	sshra.s32 @!p1 s17, $0x2  }
0x37: {  	v1 =	vld @!p1 [tilespmem:s17+$0xD00];
	_ =	sdelay $0x4  }
0x38: {  	[tilespmem:$0x500] =	vst @!p1 v1  }
0x39: {  	v1 =	vld @!p1 [tilespmem:s17+$0xD10];
	_ =	sdelay $0x4  }
0x3a: {  	[tilespmem:$0x510] =	vst @!p1 v1  }
0x3b: {  	v1 =	vld @!p1 [tilespmem:s17+$0xD20];
	_ =	sdelay $0x4  }
0x3c: {  	[tilespmem:$0x520] =	vst @!p1 v1  }
0x3d: {  	v1 =	vld @!p1 [tilespmem:s17+$0xD30];
	_ =	sdelay $0x4  }
0x3e: {  	v2 =	vld [tilespmem:$0x481];
	[tilespmem:$0x530] =	vst @!p1 v1  }
0x3f: {  	v1 =	vld @!p1 [tilespmem:s17+$0xD40];
	_ =	sdelay $0x4  }
0x40: {  	(v2sf) =	vpush v2, $0x0;
	[tilespmem:$0x540] =	vst @!p1 v1  }
0x41: {  	v1 =	vld @!p1 [tilespmem:s17+$0xD50];
	_ =	sdelay $0x4  }
0x42: {  	[tilespmem:$0x550] =	vst @!p1 v1  }
0x43: {  	v1 =	vld @!p1 [tilespmem:s17+$0xD60];
	_ =	sdelay $0x4  }
0x44: {  	[tilespmem:$0x560] =	vst @!p1 v1  }
0x45: {  	v1 =	vld @!p1 [tilespmem:s17+$0xD70];
	_ =	sdelay $0x1  }
0x46: {  	s17 =	spop (v2sf)  }
0x47: {  	p0 =	slt.s32 s17, $0x0  }
0x48: {  	s17 =	sshll.u32 @!p0 s17, $0x9  }
0x49: {  	s17 =	sshra.s32 @!p0 s17, $0x2;
	[tilespmem:$0x570] =	vst @!p1 v1  }
0x4a: {  	v1 =	vld @!p0 [tilespmem:s17+$0xD00];
	_ =	sdelay $0x4  }
0x4b: {  	[tilespmem:$0x580] =	vst @!p0 v1  }
0x4c: {  	v1 =	vld @!p0 [tilespmem:s17+$0xD10];
	_ =	sdelay $0x4  }
0x4d: {  	[tilespmem:$0x590] =	vst @!p0 v1  }
0x4e: {  	v1 =	vld @!p0 [tilespmem:s17+$0xD20];
	_ =	sdelay $0x4  }
0x4f: {  	[tilespmem:$0x5A0] =	vst @!p0 v1  }
0x50: {  	v1 =	vld @!p0 [tilespmem:s17+$0xD30];
	_ =	sdelay $0x4  }
0x51: {  	v2 =	vld [tilespmem:$0x482];
	[tilespmem:$0x5B0] =	vst @!p0 v1  }
0x52: {  	v1 =	vld @!p0 [tilespmem:s17+$0xD40];
	_ =	sdelay $0x4  }
0x53: {  	(v2sf) =	vpush v2, $0x0;
	[tilespmem:$0x5C0] =	vst @!p0 v1  }
0x54: {  	v1 =	vld @!p0 [tilespmem:s17+$0xD50];
	_ =	sdelay $0x4  }
0x55: {  	[tilespmem:$0x5D0] =	vst @!p0 v1  }
0x56: {  	v1 =	vld @!p0 [tilespmem:s17+$0xD60];
	_ =	sdelay $0x4  }
0x57: {  	[tilespmem:$0x5E0] =	vst @!p0 v1  }
0x58: {  	v1 =	vld @!p0 [tilespmem:s17+$0xD70];
	_ =	sdelay $0x1  }
0x59: {  	s17 =	spop (v2sf)  }
0x5a: {  	p1 =	slt.s32 s17, $0x0  }
0x5b: {  	s17 =	sshll.u32 @!p1 s17, $0x9  }
0x5c: {  	s17 =	sshra.s32 @!p1 s17, $0x2;
	[tilespmem:$0x5F0] =	vst @!p0 v1  }
0x5d: {  	v1 =	vld @!p1 [tilespmem:s17+$0xD00];
	_ =	sdelay $0x4  }
0x5e: {  	[tilespmem:$0x600] =	vst @!p1 v1  }
0x5f: {  	v1 =	vld @!p1 [tilespmem:s17+$0xD10];
	_ =	sdelay $0x4  }
0x60: {  	[tilespmem:$0x610] =	vst @!p1 v1  }
0x61: {  	v1 =	vld @!p1 [tilespmem:s17+$0xD20];
	_ =	sdelay $0x4  }
0x62: {  	[tilespmem:$0x620] =	vst @!p1 v1  }
0x63: {  	v1 =	vld @!p1 [tilespmem:s17+$0xD30];
	_ =	sdelay $0x4  }
0x64: {  	v2 =	vld [tilespmem:$0x483];
	[tilespmem:$0x630] =	vst @!p1 v1  }
0x65: {  	v1 =	vld @!p1 [tilespmem:s17+$0xD40];
	_ =	sdelay $0x4  }
0x66: {  	(v2sf) =	vpush v2, $0x0;
	[tilespmem:$0x640] =	vst @!p1 v1  }
0x67: {  	v1 =	vld @!p1 [tilespmem:s17+$0xD50];
	_ =	sdelay $0x4  }
0x68: {  	[tilespmem:$0x650] =	vst @!p1 v1  }
0x69: {  	v1 =	vld @!p1 [tilespmem:s17+$0xD60];
	_ =	sdelay $0x4  }
0x6a: {  	[tilespmem:$0x660] =	vst @!p1 v1  }
0x6b: {  	v1 =	vld @!p1 [tilespmem:s17+$0xD70];
	_ =	sdelay $0x1  }
0x6c: {  	s17 =	spop (v2sf)  }
0x6d: {  	p0 =	slt.s32 s17, $0x0  }
0x6e: {  	s17 =	sshll.u32 @!p0 s17, $0x9  }
0x6f: {  	s17 =	sshra.s32 @!p0 s17, $0x2;
	[tilespmem:$0x670] =	vst @!p1 v1  }
0x70: {  	v1 =	vld @!p0 [tilespmem:s17+$0xD00];
	_ =	sdelay $0x4  }
0x71: {  	[tilespmem:$0x680] =	vst @!p0 v1  }
0x72: {  	v1 =	vld @!p0 [tilespmem:s17+$0xD10];
	_ =	sdelay $0x4  }
0x73: {  	[tilespmem:$0x690] =	vst @!p0 v1  }
0x74: {  	v1 =	vld @!p0 [tilespmem:s17+$0xD20];
	_ =	sdelay $0x4  }
0x75: {  	[tilespmem:$0x6A0] =	vst @!p0 v1  }
0x76: {  	v1 =	vld @!p0 [tilespmem:s17+$0xD30];
	_ =	sdelay $0x4  }
0x77: {  	v2 =	vld [tilespmem:$0x484];
	[tilespmem:$0x6B0] =	vst @!p0 v1  }
0x78: {  	v1 =	vld @!p0 [tilespmem:s17+$0xD40];
	_ =	sdelay $0x4  }
0x79: {  	(v2sf) =	vpush v2, $0x0;
	[tilespmem:$0x6C0] =	vst @!p0 v1  }
0x7a: {  	v1 =	vld @!p0 [tilespmem:s17+$0xD50];
	_ =	sdelay $0x4  }
0x7b: {  	[tilespmem:$0x6D0] =	vst @!p0 v1  }
0x7c: {  	v1 =	vld @!p0 [tilespmem:s17+$0xD60];
	_ =	sdelay $0x4  }
0x7d: {  	[tilespmem:$0x6E0] =	vst @!p0 v1  }
0x7e: {  	v1 =	vld @!p0 [tilespmem:s17+$0xD70];
	_ =	sdelay $0x1  }
0x7f: {  	s17 =	spop (v2sf)  }
0x80: {  	p1 =	slt.s32 s17, $0x0  }
0x81: {  	s17 =	sshll.u32 @!p1 s17, $0x9  }
0x82: {  	s17 =	sshra.s32 @!p1 s17, $0x2;
	[tilespmem:$0x6F0] =	vst @!p0 v1  }
0x83: {  	v1 =	vld @!p1 [tilespmem:s17+$0xD00];
	_ =	sdelay $0x4  }
0x84: {  	[tilespmem:$0x700] =	vst @!p1 v1  }
0x85: {  	v1 =	vld @!p1 [tilespmem:s17+$0xD10];
	_ =	sdelay $0x4  }
0x86: {  	[tilespmem:$0x710] =	vst @!p1 v1  }
0x87: {  	v1 =	vld @!p1 [tilespmem:s17+$0xD20];
	_ =	sdelay $0x4  }
0x88: {  	[tilespmem:$0x720] =	vst @!p1 v1  }
0x89: {  	v1 =	vld @!p1 [tilespmem:s17+$0xD30];
	_ =	sdelay $0x4  }
0x8a: {  	v2 =	vld [tilespmem:$0x485];
	[tilespmem:$0x730] =	vst @!p1 v1  }
0x8b: {  	v1 =	vld @!p1 [tilespmem:s17+$0xD40];
	_ =	sdelay $0x4  }
0x8c: {  	(v2sf) =	vpush v2, $0x0;
	[tilespmem:$0x740] =	vst @!p1 v1  }
0x8d: {  	v1 =	vld @!p1 [tilespmem:s17+$0xD50];
	_ =	sdelay $0x4  }
0x8e: {  	[tilespmem:$0x750] =	vst @!p1 v1  }
0x8f: {  	v1 =	vld @!p1 [tilespmem:s17+$0xD60];
	_ =	sdelay $0x4  }
0x90: {  	[tilespmem:$0x760] =	vst @!p1 v1  }
0x91: {  	v1 =	vld @!p1 [tilespmem:s17+$0xD70];
	_ =	sdelay $0x1  }
0x92: {  	s17 =	spop (v2sf)  }
0x93: {  	p0 =	slt.s32 s17, $0x0  }
0x94: {  	s17 =	sshll.u32 @!p0 s17, $0x9  }
0x95: {  	s17 =	sshra.s32 @!p0 s17, $0x2;
	[tilespmem:$0x770] =	vst @!p1 v1  }
0x96: {  	v1 =	vld @!p0 [tilespmem:s17+$0xD00];
	_ =	sdelay $0x4  }
0x97: {  	[tilespmem:$0x780] =	vst @!p0 v1  }
0x98: {  	v1 =	vld @!p0 [tilespmem:s17+$0xD10];
	_ =	sdelay $0x4  }
0x99: {  	[tilespmem:$0x790] =	vst @!p0 v1  }
0x9a: {  	v1 =	vld @!p0 [tilespmem:s17+$0xD20];
	_ =	sdelay $0x4  }
0x9b: {  	[tilespmem:$0x7A0] =	vst @!p0 v1  }
0x9c: {  	v1 =	vld @!p0 [tilespmem:s17+$0xD30];
	_ =	sdelay $0x4  }
0x9d: {  	v2 =	vld [tilespmem:$0x486];
	[tilespmem:$0x7B0] =	vst @!p0 v1  }
0x9e: {  	v1 =	vld @!p0 [tilespmem:s17+$0xD40];
	_ =	sdelay $0x4  }
0x9f: {  	(v2sf) =	vpush v2, $0x0;
	[tilespmem:$0x7C0] =	vst @!p0 v1  }
0xa0: {  	v1 =	vld @!p0 [tilespmem:s17+$0xD50];
	_ =	sdelay $0x4  }
0xa1: {  	[tilespmem:$0x7D0] =	vst @!p0 v1  }
0xa2: {  	v1 =	vld @!p0 [tilespmem:s17+$0xD60];
	_ =	sdelay $0x4  }
0xa3: {  	[tilespmem:$0x7E0] =	vst @!p0 v1  }
0xa4: {  	v1 =	vld @!p0 [tilespmem:s17+$0xD70];
	_ =	sdelay $0x1  }
0xa5: {  	s17 =	spop (v2sf)  }
0xa6: {  	p1 =	slt.s32 s17, $0x0  }
0xa7: {  	s17 =	sshll.u32 @!p1 s17, $0x9  }
0xa8: {  	s17 =	sshra.s32 @!p1 s17, $0x2;
	[tilespmem:$0x7F0] =	vst @!p0 v1  }
0xa9: {  	v1 =	vld @!p1 [tilespmem:s17+$0xD00];
	_ =	sdelay $0x4  }
0xaa: {  	[tilespmem:$0x800] =	vst @!p1 v1  }
0xab: {  	v1 =	vld @!p1 [tilespmem:s17+$0xD10];
	_ =	sdelay $0x4  }
0xac: {  	[tilespmem:$0x810] =	vst @!p1 v1  }
0xad: {  	v1 =	vld @!p1 [tilespmem:s17+$0xD20];
	_ =	sdelay $0x4  }
0xae: {  	[tilespmem:$0x820] =	vst @!p1 v1  }
0xaf: {  	v1 =	vld @!p1 [tilespmem:s17+$0xD30];
	_ =	sdelay $0x4  }
0xb0: {  	v2 =	vld [tilespmem:$0x487];
	[tilespmem:$0x830] =	vst @!p1 v1  }
0xb1: {  	v1 =	vld @!p1 [tilespmem:s17+$0xD40];
	_ =	sdelay $0x4  }
0xb2: {  	(v2sf) =	vpush v2, $0x0;
	[tilespmem:$0x840] =	vst @!p1 v1  }
0xb3: {  	v1 =	vld @!p1 [tilespmem:s17+$0xD50];
	_ =	sdelay $0x4  }
0xb4: {  	[tilespmem:$0x850] =	vst @!p1 v1  }
0xb5: {  	v1 =	vld @!p1 [tilespmem:s17+$0xD60];
	_ =	sdelay $0x4  }
0xb6: {  	[tilespmem:$0x860] =	vst @!p1 v1  }
0xb7: {  	v1 =	vld @!p1 [tilespmem:s17+$0xD70];
	_ =	sdelay $0x1  }
0xb8: {  	s17 =	spop (v2sf)  }
0xb9: {  	p0 =	slt.s32 s17, $0x0  }
0xba: {  	s17 =	sshll.u32 @!p0 s17, $0x9  }
0xbb: {  	s17 =	sshra.s32 @!p0 s17, $0x2;
	[tilespmem:$0x870] =	vst @!p1 v1  }
0xbc: {  	v1 =	vld @!p0 [tilespmem:s17+$0xD00];
	_ =	sdelay $0x4  }
0xbd: {  	[tilespmem:$0x880] =	vst @!p0 v1  }
0xbe: {  	v1 =	vld @!p0 [tilespmem:s17+$0xD10];
	_ =	sdelay $0x4  }
0xbf: {  	[tilespmem:$0x890] =	vst @!p0 v1  }
0xc0: {  	v1 =	vld @!p0 [tilespmem:s17+$0xD20];
	_ =	sdelay $0x4  }
0xc1: {  	[tilespmem:$0x8A0] =	vst @!p0 v1  }
0xc2: {  	v1 =	vld @!p0 [tilespmem:s17+$0xD30];
	_ =	sdelay $0x4  }
0xc3: {  	v2 =	vld [tilespmem:$0x488];
	[tilespmem:$0x8B0] =	vst @!p0 v1  }
0xc4: {  	v1 =	vld @!p0 [tilespmem:s17+$0xD40];
	_ =	sdelay $0x4  }
0xc5: {  	(v2sf) =	vpush v2, $0x0;
	[tilespmem:$0x8C0] =	vst @!p0 v1  }
0xc6: {  	v1 =	vld @!p0 [tilespmem:s17+$0xD50];
	_ =	sdelay $0x4  }
0xc7: {  	[tilespmem:$0x8D0] =	vst @!p0 v1  }
0xc8: {  	v1 =	vld @!p0 [tilespmem:s17+$0xD60];
	_ =	sdelay $0x4  }
0xc9: {  	[tilespmem:$0x8E0] =	vst @!p0 v1  }
0xca: {  	v1 =	vld @!p0 [tilespmem:s17+$0xD70];
	_ =	sdelay $0x1  }
0xcb: {  	s17 =	spop (v2sf)  }
0xcc: {  	p1 =	slt.s32 s17, $0x0  }
0xcd: {  	s17 =	sshll.u32 @!p1 s17, $0x9  }
0xce: {  	s17 =	sshra.s32 @!p1 s17, $0x2;
	[tilespmem:$0x8F0] =	vst @!p0 v1  }
0xcf: {  	v1 =	vld @!p1 [tilespmem:s17+$0xD00];
	_ =	sdelay $0x4  }
0xd0: {  	[tilespmem:$0x900] =	vst @!p1 v1  }
0xd1: {  	v1 =	vld @!p1 [tilespmem:s17+$0xD10];
	_ =	sdelay $0x4  }
0xd2: {  	[tilespmem:$0x910] =	vst @!p1 v1  }
0xd3: {  	v1 =	vld @!p1 [tilespmem:s17+$0xD20];
	_ =	sdelay $0x4  }
0xd4: {  	[tilespmem:$0x920] =	vst @!p1 v1  }
0xd5: {  	v1 =	vld @!p1 [tilespmem:s17+$0xD30];
	_ =	sdelay $0x4  }
0xd6: {  	v2 =	vld [tilespmem:$0x489];
	[tilespmem:$0x930] =	vst @!p1 v1  }
0xd7: {  	v1 =	vld @!p1 [tilespmem:s17+$0xD40];
	_ =	sdelay $0x4  }
0xd8: {  	(v2sf) =	vpush v2, $0x0;
	[tilespmem:$0x940] =	vst @!p1 v1  }
0xd9: {  	v1 =	vld @!p1 [tilespmem:s17+$0xD50];
	_ =	sdelay $0x4  }
0xda: {  	[tilespmem:$0x950] =	vst @!p1 v1  }
0xdb: {  	v1 =	vld @!p1 [tilespmem:s17+$0xD60];
	_ =	sdelay $0x4  }
0xdc: {  	[tilespmem:$0x960] =	vst @!p1 v1  }
0xdd: {  	v1 =	vld @!p1 [tilespmem:s17+$0xD70];
	_ =	sdelay $0x1  }
0xde: {  	s17 =	spop (v2sf)  }
0xdf: {  	p0 =	slt.s32 s17, $0x0  }
0xe0: {  	s17 =	sshll.u32 @!p0 s17, $0x9  }
0xe1: {  	s17 =	sshra.s32 @!p0 s17, $0x2;
	[tilespmem:$0x970] =	vst @!p1 v1  }
0xe2: {  	v1 =	vld @!p0 [tilespmem:s17+$0xD00];
	_ =	sdelay $0x4  }
0xe3: {  	[tilespmem:$0x980] =	vst @!p0 v1  }
0xe4: {  	v1 =	vld @!p0 [tilespmem:s17+$0xD10];
	_ =	sdelay $0x4  }
0xe5: {  	[tilespmem:$0x990] =	vst @!p0 v1  }
0xe6: {  	v1 =	vld @!p0 [tilespmem:s17+$0xD20];
	_ =	sdelay $0x4  }
0xe7: {  	[tilespmem:$0x9A0] =	vst @!p0 v1  }
0xe8: {  	v1 =	vld @!p0 [tilespmem:s17+$0xD30];
	_ =	sdelay $0x4  }
0xe9: {  	v2 =	vld [tilespmem:$0x48A];
	[tilespmem:$0x9B0] =	vst @!p0 v1  }
0xea: {  	v1 =	vld @!p0 [tilespmem:s17+$0xD40];
	_ =	sdelay $0x4  }
0xeb: {  	(v2sf) =	vpush v2, $0x0;
	[tilespmem:$0x9C0] =	vst @!p0 v1  }
0xec: {  	v1 =	vld @!p0 [tilespmem:s17+$0xD50];
	_ =	sdelay $0x4  }
0xed: {  	[tilespmem:$0x9D0] =	vst @!p0 v1  }
0xee: {  	v1 =	vld @!p0 [tilespmem:s17+$0xD60];
	_ =	sdelay $0x4  }
0xef: {  	[tilespmem:$0x9E0] =	vst @!p0 v1  }
0xf0: {  	v1 =	vld @!p0 [tilespmem:s17+$0xD70];
	_ =	sdelay $0x1  }
0xf1: {  	s17 =	spop (v2sf)  }
0xf2: {  	p1 =	slt.s32 s17, $0x0  }
0xf3: {  	s17 =	sshll.u32 @!p1 s17, $0x9  }
0xf4: {  	s17 =	sshra.s32 @!p1 s17, $0x2;
	[tilespmem:$0x9F0] =	vst @!p0 v1  }
0xf5: {  	v1 =	vld @!p1 [tilespmem:s17+$0xD00];
	_ =	sdelay $0x4  }
0xf6: {  	[tilespmem:$0xA00] =	vst @!p1 v1  }
0xf7: {  	v1 =	vld @!p1 [tilespmem:s17+$0xD10];
	_ =	sdelay $0x4  }
0xf8: {  	[tilespmem:$0xA10] =	vst @!p1 v1  }
0xf9: {  	v1 =	vld @!p1 [tilespmem:s17+$0xD20];
	_ =	sdelay $0x4  }
0xfa: {  	[tilespmem:$0xA20] =	vst @!p1 v1  }
0xfb: {  	v1 =	vld @!p1 [tilespmem:s17+$0xD30];
	_ =	sdelay $0x4  }
0xfc: {  	v2 =	vld [tilespmem:$0x48B];
	[tilespmem:$0xA30] =	vst @!p1 v1  }
0xfd: {  	v1 =	vld @!p1 [tilespmem:s17+$0xD40];
	_ =	sdelay $0x4  }
0xfe: {  	(v2sf) =	vpush v2, $0x0;
	[tilespmem:$0xA40] =	vst @!p1 v1  }
0xff: {  	v1 =	vld @!p1 [tilespmem:s17+$0xD50];
	_ =	sdelay $0x4  }
0x100: {  	[tilespmem:$0xA50] =	vst @!p1 v1  }
0x101: {  	v1 =	vld @!p1 [tilespmem:s17+$0xD60];
	_ =	sdelay $0x4  }
0x102: {  	[tilespmem:$0xA60] =	vst @!p1 v1  }
0x103: {  	v1 =	vld @!p1 [tilespmem:s17+$0xD70];
	_ =	sdelay $0x1  }
0x104: {  	s17 =	spop (v2sf)  }
0x105: {  	p0 =	slt.s32 s17, $0x0  }
0x106: {  	s17 =	sshll.u32 @!p0 s17, $0x9  }
0x107: {  	s17 =	sshra.s32 @!p0 s17, $0x2;
	[tilespmem:$0xA70] =	vst @!p1 v1  }
0x108: {  	v1 =	vld @!p0 [tilespmem:s17+$0xD00];
	_ =	sdelay $0x4  }
0x109: {  	[tilespmem:$0xA80] =	vst @!p0 v1  }
0x10a: {  	v1 =	vld @!p0 [tilespmem:s17+$0xD10];
	_ =	sdelay $0x4  }
0x10b: {  	[tilespmem:$0xA90] =	vst @!p0 v1  }
0x10c: {  	v1 =	vld @!p0 [tilespmem:s17+$0xD20];
	_ =	sdelay $0x4  }
0x10d: {  	[tilespmem:$0xAA0] =	vst @!p0 v1  }
0x10e: {  	v1 =	vld @!p0 [tilespmem:s17+$0xD30];
	_ =	sdelay $0x4  }
0x10f: {  	v2 =	vld [tilespmem:$0x48C];
	[tilespmem:$0xAB0] =	vst @!p0 v1  }
0x110: {  	v1 =	vld @!p0 [tilespmem:s17+$0xD40];
	_ =	sdelay $0x4  }
0x111: {  	(v2sf) =	vpush v2, $0x0;
	[tilespmem:$0xAC0] =	vst @!p0 v1  }
0x112: {  	v1 =	vld @!p0 [tilespmem:s17+$0xD50];
	_ =	sdelay $0x4  }
0x113: {  	[tilespmem:$0xAD0] =	vst @!p0 v1  }
0x114: {  	v1 =	vld @!p0 [tilespmem:s17+$0xD60];
	_ =	sdelay $0x4  }
0x115: {  	[tilespmem:$0xAE0] =	vst @!p0 v1  }
0x116: {  	v1 =	vld @!p0 [tilespmem:s17+$0xD70];
	_ =	sdelay $0x1  }
0x117: {  	s17 =	spop (v2sf)  }
0x118: {  	p1 =	slt.s32 s17, $0x0  }
0x119: {  	s17 =	sshll.u32 @!p1 s17, $0x9  }
0x11a: {  	s17 =	sshra.s32 @!p1 s17, $0x2;
	[tilespmem:$0xAF0] =	vst @!p0 v1  }
0x11b: {  	v1 =	vld @!p1 [tilespmem:s17+$0xD00];
	_ =	sdelay $0x4  }
0x11c: {  	[tilespmem:$0xB00] =	vst @!p1 v1  }
0x11d: {  	v1 =	vld @!p1 [tilespmem:s17+$0xD10];
	_ =	sdelay $0x4  }
0x11e: {  	[tilespmem:$0xB10] =	vst @!p1 v1  }
0x11f: {  	v1 =	vld @!p1 [tilespmem:s17+$0xD20];
	_ =	sdelay $0x4  }
0x120: {  	[tilespmem:$0xB20] =	vst @!p1 v1  }
0x121: {  	v1 =	vld @!p1 [tilespmem:s17+$0xD30];
	_ =	sdelay $0x4  }
0x122: {  	v2 =	vld [tilespmem:$0x48D];
	[tilespmem:$0xB30] =	vst @!p1 v1  }
0x123: {  	v1 =	vld @!p1 [tilespmem:s17+$0xD40];
	_ =	sdelay $0x4  }
0x124: {  	(v2sf) =	vpush v2, $0x0;
	[tilespmem:$0xB40] =	vst @!p1 v1  }
0x125: {  	v1 =	vld @!p1 [tilespmem:s17+$0xD50];
	_ =	sdelay $0x4  }
0x126: {  	[tilespmem:$0xB50] =	vst @!p1 v1  }
0x127: {  	v1 =	vld @!p1 [tilespmem:s17+$0xD60];
	_ =	sdelay $0x4  }
0x128: {  	[tilespmem:$0xB60] =	vst @!p1 v1  }
0x129: {  	v1 =	vld @!p1 [tilespmem:s17+$0xD70];
	_ =	sdelay $0x1  }
0x12a: {  	s17 =	spop (v2sf)  }
0x12b: {  	p0 =	slt.s32 s17, $0x0  }
0x12c: {  	s17 =	sshll.u32 @!p0 s17, $0x9  }
0x12d: {  	s17 =	sshra.s32 @!p0 s17, $0x2;
	[tilespmem:$0xB70] =	vst @!p1 v1  }
0x12e: {  	v1 =	vld @!p0 [tilespmem:s17+$0xD00];
	_ =	sdelay $0x4  }
0x12f: {  	[tilespmem:$0xB80] =	vst @!p0 v1  }
0x130: {  	v1 =	vld @!p0 [tilespmem:s17+$0xD10];
	_ =	sdelay $0x4  }
0x131: {  	[tilespmem:$0xB90] =	vst @!p0 v1  }
0x132: {  	v1 =	vld @!p0 [tilespmem:s17+$0xD20];
	_ =	sdelay $0x4  }
0x133: {  	[tilespmem:$0xBA0] =	vst @!p0 v1  }
0x134: {  	v1 =	vld @!p0 [tilespmem:s17+$0xD30];
	_ =	sdelay $0x4  }
0x135: {  	v2 =	vld [tilespmem:$0x48E];
	[tilespmem:$0xBB0] =	vst @!p0 v1  }
0x136: {  	v1 =	vld @!p0 [tilespmem:s17+$0xD40];
	_ =	sdelay $0x4  }
0x137: {  	(v2sf) =	vpush v2, $0x0;
	[tilespmem:$0xBC0] =	vst @!p0 v1  }
0x138: {  	v1 =	vld @!p0 [tilespmem:s17+$0xD50];
	_ =	sdelay $0x4  }
0x139: {  	[tilespmem:$0xBD0] =	vst @!p0 v1  }
0x13a: {  	v1 =	vld @!p0 [tilespmem:s17+$0xD60];
	_ =	sdelay $0x4  }
0x13b: {  	[tilespmem:$0xBE0] =	vst @!p0 v1  }
0x13c: {  	v1 =	vld @!p0 [tilespmem:s17+$0xD70];
	_ =	sdelay $0x1  }
0x13d: {  	s17 =	spop (v2sf)  }
0x13e: {  	p1 =	slt.s32 s17, $0x0  }
0x13f: {  	s17 =	sshll.u32 @!p1 s17, $0x9  }
0x140: {  	s17 =	sshra.s32 @!p1 s17, $0x2;
	[tilespmem:$0xBF0] =	vst @!p0 v1  }
0x141: {  	v1 =	vld @!p1 [tilespmem:s17+$0xD00];
	_ =	sdelay $0x4  }
0x142: {  	[tilespmem:$0xC00] =	vst @!p1 v1  }
0x143: {  	v1 =	vld @!p1 [tilespmem:s17+$0xD10];
	_ =	sdelay $0x4  }
0x144: {  	[tilespmem:$0xC10] =	vst @!p1 v1  }
0x145: {  	v1 =	vld @!p1 [tilespmem:s17+$0xD20];
	_ =	sdelay $0x4  }
0x146: {  	[tilespmem:$0xC20] =	vst @!p1 v1  }
0x147: {  	v1 =	vld @!p1 [tilespmem:s17+$0xD30];
	_ =	sdelay $0x4  }
0x148: {  	v2 =	vld [tilespmem:$0x48F];
	[tilespmem:$0xC30] =	vst @!p1 v1  }
0x149: {  	v1 =	vld @!p1 [tilespmem:s17+$0xD40];
	_ =	sdelay $0x4  }
0x14a: {  	(v2sf) =	vpush v2, $0x0;
	[tilespmem:$0xC40] =	vst @!p1 v1  }
0x14b: {  	v1 =	vld @!p1 [tilespmem:s17+$0xD50];
	_ =	sdelay $0x4  }
0x14c: {  	[tilespmem:$0xC50] =	vst @!p1 v1  }
0x14d: {  	v1 =	vld @!p1 [tilespmem:s17+$0xD60];
	_ =	sdelay $0x4  }
0x14e: {  	[tilespmem:$0xC60] =	vst @!p1 v1  }
0x14f: {  	v1 =	vld @!p1 [tilespmem:s17+$0xD70];
	_ =	sdelay $0x1  }
0x150: {  	s17 =	spop (v2sf)  }
0x151: {  	p0 =	slt.s32 s17, $0x0  }
0x152: {  	s17 =	sshll.u32 @!p0 s17, $0x9  }
0x153: {  	s17 =	sshra.s32 @!p0 s17, $0x2;
	[tilespmem:$0xC70] =	vst @!p1 v1  }
0x154: {  	v1 =	vld @!p0 [tilespmem:s17+$0xD00];
	_ =	sdelay $0x4  }
0x155: {  	[tilespmem:$0xC80] =	vst @!p0 v1  }
0x156: {  	v1 =	vld @!p0 [tilespmem:s17+$0xD10];
	_ =	sdelay $0x4  }
0x157: {  	[tilespmem:$0xC90] =	vst @!p0 v1  }
0x158: {  	v1 =	vld @!p0 [tilespmem:s17+$0xD20];
	_ =	sdelay $0x4  }
0x159: {  	[tilespmem:$0xCA0] =	vst @!p0 v1  }
0x15a: {  	v1 =	vld @!p0 [tilespmem:s17+$0xD30];
	_ =	sdelay $0x4  }
0x15b: {  	[tilespmem:$0xCB0] =	vst @!p0 v1  }
0x15c: {  	v1 =	vld @!p0 [tilespmem:s17+$0xD40];
	_ =	sdelay $0x4  }
0x15d: {  	[tilespmem:$0xCC0] =	vst @!p0 v1  }
0x15e: {  	v1 =	vld @!p0 [tilespmem:s17+$0xD50];
	_ =	sdelay $0x4  }
0x15f: {  	[tilespmem:$0xCD0] =	vst @!p0 v1  }
0x160: {  	v1 =	vld @!p0 [tilespmem:s17+$0xD60];
	_ =	sdelay $0x4  }
0x161: {  	[tilespmem:$0xCE0] =	vst @!p0 v1  }
0x162: {  	v1 =	vld @!p0 [tilespmem:s17+$0xD70];
	_ =	sdelay $0x4  }
.Ltmp5:
0x163: {  	[tilespmem:$0xCF0] =	vst @!p0 v1;
	(pc) =	sbr.rel .LBB2_4-.Ltmp5, $4  }
0x164: {  	[hbm4b:s14+s3] =	stream.linear.scatter [tilespmem:s9], [sflag:$0x1], $0x800, $0x38;
	[tilespmem:$0x2D00] =	vst v63  }
0x165: {  	_ =	swait.ge [sflag:s8], $0x800  }
0x166: {  	[sflag:s8] =	ssyncset.done $0x0  }
0x167: {  	[sflag:s8] =	ssyncadd.s32 $0xFFFFF800  }
.LBB2_6:
0x168: {  	_ =	sfence.sel $0x180000  }
0x169: {  	[bflag:$0x0] =	sbarrier.arrive $0xFFFF  }
0x16a: {  	p0 =	sne.s32 s2, $0x0;
	_ =	strace $0x90000047  }
0x16b: {  	s0 =	sadd.s32 @!p0 $0x100000, s0;
	[bflag:$0x2] =	sbarrier.arrive $0xFFFF  }
0x16c: {  	[sflag:s0] =	ssyncadd.tile.s32 @!p0 $0x1;
	_ =	shalt  }
.Lfunc_end2:
_tile_overlayer_lowered:
.L_overlay_start_2:
0x16d: {  	(tag) =	ssettag $0x2  }
0x16e: {  	s0 =	rddreg [dreg:$0x0];
	s2 =	stileid.u32  }
0x16f: {  	s1 =	rddreg [dreg:$0x1];
	p0 =	sne.s32 s2, $0x0  }
0x170: {  	s3 =	rddreg [dreg:$0x2];
	[bflag:$0x3] =	sbarrier.arrive $0xFFFF;
	s2 =	simm.s32 @!p0 $0x1C01  }
0x171: {  	[timem:s3], [sflag:s2] =	dma.local @!p0 [hbm:s0], s1  }
0x172: {  	s0 =	simm.s32 @!p0 $0x1  }
0x173: {  	_ =	swait.ge @!p0 [sflag:s0], s1  }
0x174: {  	s1 =	ssub.s32 @!p0 $0x0, s1;
	[sflag:s0] =	ssyncset.done @!p0 $0x0  }
0x175: {  	[sflag:s0] =	ssyncadd.s32 @!p0 s1  }
0x176: {  	[bflag:$0x3] =	sbarrier.arrive $0xFFFF  }
0x177: {  	_ =	shalt  }

</sc_bundles>
